<compile_context>
chip_gen: v7x
topology: tpu7x:2x2x1
jax: 0.10.2.dev20260603
libtpu: 0.0.44.dev20260713+nightly
codegen_flags: <defaults>
</compile_context>

<pallas_src>
import functools

import jax
import jax.numpy as jnp
from jax import lax
from jax.experimental import pallas as pl
from jax.experimental.pallas import tpu as pltpu
from jax.experimental.pallas import tpu_sc as plsc

_L = 16


def _sigmoid(x):
    return 1.0 / (1.0 + jnp.exp(-x))


@functools.partial(jax.jit, static_argnums=(3, 4, 5))
def _run(params, idx_t, dns_t, num_workers, vpad, ndense):
    num_fields, B = idx_t.shape
    bpw = B // num_workers
    ngroups = bpw // _L
    psize = params.shape[0]
    mesh = plsc.VectorSubcoreMesh(core_axis_name="c", subcore_axis_name="s")

    @functools.partial(
        pl.kernel,
        mesh=mesh,
        out_type=jax.ShapeDtypeStruct((B,), jnp.float32),
        scratch_types=[
            pltpu.VMEM((psize,), jnp.float32),
            pltpu.VMEM((num_fields, bpw), jnp.int32),
            pltpu.VMEM((ndense, bpw), jnp.float32),
            pltpu.VMEM((bpw,), jnp.float32),
            pltpu.SemaphoreType.DMA,
        ],
        compiler_params=pltpu.CompilerParams(
            needs_layout_passes=False, use_tc_tiling_on_sc=True
        ),
    )
    def k(params_hbm, idx_hbm, dns_hbm, out_hbm,
          params_v, idx_v, dns_v, out_v, sem):
        wid = lax.axis_index("s") * 2 + lax.axis_index("c")
        base = wid * bpw
        c1 = pltpu.async_copy(params_hbm, params_v, sem)
        c2 = pltpu.async_copy(idx_hbm.at[:, pl.ds(base, bpw)], idx_v, sem)
        c3 = pltpu.async_copy(dns_hbm.at[:, pl.ds(base, bpw)], dns_v, sem)
        c1.wait()
        c2.wait()
        c3.wait()

        lane = lax.iota(jnp.int32, _L)
        zero = jnp.zeros((_L,), jnp.int32)

        @plsc.parallel_loop(0, ngroups, 1, unroll=2)
        def body(g):
            rows = g * _L + lane
            acc = params_v[pl.ds(vpad + ndense * _L, _L)]
            for j in range(ndense):
                dv = plsc.load_gather(dns_v, [zero + j, rows])
                acc = acc + dv * params_v[pl.ds(vpad + j * _L, _L)]
            for f in range(num_fields):
                ii = plsc.load_gather(idx_v, [zero + f, rows])
                acc = acc + plsc.load_gather(params_v, [ii])
            out_v[pl.ds(g * _L, _L)] = _sigmoid(acc)
        pltpu.sync_copy(out_v, out_hbm.at[pl.ds(base, bpw)])

    return k(params, idx_t, dns_t)


def kernel(dense_input, sparse_input, emb_table, fm_W, fm_b):
    B, ndense = dense_input.shape
    V = emb_table.shape[0]
    NW = 32

    idx_t = sparse_input.astype(jnp.int32).T
    dns_t = dense_input.astype(jnp.float32).T
    vpad = ((V + 127) // 128) * 128
    params = jnp.concatenate([
        emb_table.astype(jnp.float32).reshape(V),
        jnp.zeros((vpad - V,), jnp.float32),
        jnp.broadcast_to(
            fm_W.astype(jnp.float32).reshape(ndense, 1), (ndense, _L)
        ).reshape(ndense * _L),
        jnp.broadcast_to(fm_b.astype(jnp.float32).reshape(1), (_L,)),
    ])

    out = _run(params, idx_t, dns_t, NW, vpad, ndense)
    return out.reshape(B, 1)

# --- scband reference (transcript-rebuilt; emitter-appended) ---
"""Pipeline reference for scband-deeplightlr-avazu-70935679861562 (READ-ONLY COPY).

The authoritative reference and input builder live on the scoring server;
editing this copy changes nothing except your own understanding.
"""

import jax, jax.numpy as jnp
import numpy as np

FEATURE_DIM = 1676  # round(1675.6945) for mini_batch=512

def setup_inputs(seed: int = 0) -> dict:
    key = jax.random.key(seed)
    k1, k2, k3, k4, k5 = jax.random.split(key, 5)
    dense_input = jax.random.normal(k1, (16384, 4), dtype=jnp.float32)
    sparse_input = jax.random.randint(k2, (16384, 26), 0, FEATURE_DIM, dtype=jnp.int64)
    # learned params: nn.Embedding(FEATURE_DIM, 1) and nn.Linear(4, 1)
    emb_table = jax.random.normal(k3, (FEATURE_DIM, 1), dtype=jnp.float32)
    fm_W = jax.random.normal(k4, (1, 4), dtype=jnp.float32) * (1.0 / np.sqrt(4.0))
    fm_b = jax.random.normal(k5, (1,), dtype=jnp.float32) * (1.0 / np.sqrt(4.0))
    return {"dense_input": dense_input, "sparse_input": sparse_input, "emb_table": emb_table, "fm_W": fm_W, "fm_b": fm_b}

def reference(dense_input, sparse_input, emb_table, fm_W, fm_b):
    # embedding lookup: [B, F] -> [B, F, 1]
    sparse_1dim_input = jnp.take(emb_table, sparse_input, axis=0)
    # linear: [B, 4] @ [4, 1] + [1] -> [B, 1]
    fm_dense_part = dense_input @ fm_W.T + fm_b
    # sum over fields: [B, F, 1] -> [B, 1]
    fm_sparse_part = jnp.sum(sparse_1dim_input, axis=1)
    y = fm_dense_part + fm_sparse_part
    y = jax.nn.sigmoid(y)
    return y

if __name__ == "__main__":
    import jax
    _d = setup_inputs()
    print(jax.jit(kernel)(*tuple(_d.values())))

</pallas_src>

<mosaic_0001>
#map = affine_map<(d0, d1) -> (0)>
#map1 = affine_map<(d0, d1) -> (0, 0)>
module attributes {stable_mosaic.version = 14 : i64} {
  func.func @k(%arg0: i32, %arg1: i32, %arg2: memref<1872xf32, #tpu.memory_space<hbm>>, %arg3: memref<26x16384xi32, #tpu.memory_space<hbm>>, %arg4: memref<4x16384xf32, #tpu.memory_space<hbm>>, %arg5: memref<16384xf32, #tpu.memory_space<hbm>>, %arg6: memref<1872xf32, #tpu.memory_space<vmem>>, %arg7: memref<26x512xi32, #tpu.memory_space<vmem>>, %arg8: memref<4x512xf32, #tpu.memory_space<vmem>>, %arg9: memref<512xf32, #tpu.memory_space<vmem>>, %arg10: memref<!tpu.dma_semaphore, #tpu.memory_space<semaphore_mem>>) attributes {dimension_semantics = [#tpu.dimension_semantics<core_parallel>, #tpu.dimension_semantics<subcore_parallel>], iteration_bounds = array<i64: 2, 16>, scalar_prefetch = 0 : i64, scratch_operands = 5 : i64, tpu.core_type = #tpu.core_type<sc_vector_subcore>, window_params = [{transform_indices = #map}, {transform_indices = #map1}, {transform_indices = #map1}, {transform_indices = #map}]} {
    %mul3A = arith.constant 2 : i32
    %mul3A_0 = arith.muli %arg1, %mul3A : i32
    %add3A = arith.addi %mul3A_0, %arg0 : i32
    %mul3A_1 = arith.constant 512 : i32
    %mul3A_2 = arith.muli %add3A, %mul3A_1 : i32
    tpu.enqueue_dma source(%arg2 : memref<1872xf32, #tpu.memory_space<hbm>>) target(%arg6 : memref<1872xf32, #tpu.memory_space<vmem>>) target_semaphore(%arg10 : memref<!tpu.dma_semaphore, #tpu.memory_space<semaphore_mem>>)
    %dma_start3A = arith.constant 0 : i32
    %dma_start3A_3 = tpu.memref_slice %arg3[%dma_start3A, %mul3A_2] : memref<26x16384xi32, #tpu.memory_space<hbm>> -> memref<26x512xi32, #tpu.memory_space<hbm>>
    %dma_start3A_4 = arith.constant 0 : i32
    %dma_start3A_5 = tpu.memref_slice %arg3[%dma_start3A_4, %mul3A_2] : memref<26x16384xi32, #tpu.memory_space<hbm>> -> memref<26x512xi32, #tpu.memory_space<hbm>>
    tpu.enqueue_dma source(%dma_start3A_5 : memref<26x512xi32, #tpu.memory_space<hbm>>) target(%arg7 : memref<26x512xi32, #tpu.memory_space<vmem>>) target_semaphore(%arg10 : memref<!tpu.dma_semaphore, #tpu.memory_space<semaphore_mem>>)
    %dma_start3A_6 = arith.constant 0 : i32
    %dma_start3A_7 = tpu.memref_slice %arg4[%dma_start3A_6, %mul3A_2] : memref<4x16384xf32, #tpu.memory_space<hbm>> -> memref<4x512xf32, #tpu.memory_space<hbm>>
    %dma_start3A_8 = arith.constant 0 : i32
    %dma_start3A_9 = tpu.memref_slice %arg4[%dma_start3A_8, %mul3A_2] : memref<4x16384xf32, #tpu.memory_space<hbm>> -> memref<4x512xf32, #tpu.memory_space<hbm>>
    tpu.enqueue_dma source(%dma_start3A_9 : memref<4x512xf32, #tpu.memory_space<hbm>>) target(%arg8 : memref<4x512xf32, #tpu.memory_space<vmem>>) target_semaphore(%arg10 : memref<!tpu.dma_semaphore, #tpu.memory_space<semaphore_mem>>)
    tpu.wait_dma2 semaphore(%arg10 : memref<!tpu.dma_semaphore, #tpu.memory_space<semaphore_mem>>) src(%arg2 : memref<1872xf32, #tpu.memory_space<hbm>>) dst(%arg6 : memref<1872xf32, #tpu.memory_space<vmem>>)
    %dma_wait3A = arith.constant 0 : i32
    %dma_wait3A_10 = tpu.memref_slice %arg3[%dma_wait3A, %mul3A_2] : memref<26x16384xi32, #tpu.memory_space<hbm>> -> memref<26x512xi32, #tpu.memory_space<hbm>>
    %dma_wait3A_11 = arith.constant 0 : i32
    %dma_wait3A_12 = tpu.memref_slice %arg3[%dma_wait3A_11, %mul3A_2] : memref<26x16384xi32, #tpu.memory_space<hbm>> -> memref<26x512xi32, #tpu.memory_space<hbm>>
    tpu.wait_dma2 semaphore(%arg10 : memref<!tpu.dma_semaphore, #tpu.memory_space<semaphore_mem>>) src(%dma_wait3A_12 : memref<26x512xi32, #tpu.memory_space<hbm>>) dst(%arg7 : memref<26x512xi32, #tpu.memory_space<vmem>>)
    %dma_wait3A_13 = arith.constant 0 : i32
    %dma_wait3A_14 = tpu.memref_slice %arg4[%dma_wait3A_13, %mul3A_2] : memref<4x16384xf32, #tpu.memory_space<hbm>> -> memref<4x512xf32, #tpu.memory_space<hbm>>
    %dma_wait3A_15 = arith.constant 0 : i32
    %dma_wait3A_16 = tpu.memref_slice %arg4[%dma_wait3A_15, %mul3A_2] : memref<4x16384xf32, #tpu.memory_space<hbm>> -> memref<4x512xf32, #tpu.memory_space<hbm>>
    tpu.wait_dma2 semaphore(%arg10 : memref<!tpu.dma_semaphore, #tpu.memory_space<semaphore_mem>>) src(%dma_wait3A_16 : memref<4x512xf32, #tpu.memory_space<hbm>>) dst(%arg8 : memref<4x512xf32, #tpu.memory_space<vmem>>)
    %iota3A = tpu.iota {dimensions = array<i32: 0>} : vector<16xi32>
    %broadcast_in_dim3A = arith.constant 0 : i32
    %broadcast_in_dim3A_17 = vector.broadcast %broadcast_in_dim3A : i32 to vector<16xi32>
    %parallel_loop3A = arith.constant 0 : i32
    %parallel_loop3A_18 = arith.constant 32 : i32
    %parallel_loop3A_19 = arith.constant 1 : i32
    scf.for %parallel_loop3A_20 = %parallel_loop3A to %parallel_loop3A_18 step %parallel_loop3A_19  : i32 {
      %parallel_loop3A_21 = arith.constant 16 : i32
      %parallel_loop3A_22 = arith.muli %parallel_loop3A_20, %parallel_loop3A_21 : i32
      %parallel_loop3A_23 = vector.broadcast %parallel_loop3A_22 : i32 to vector<16xi32>
      %parallel_loop3A_24 = arith.addi %parallel_loop3A_23, %iota3A : vector<16xi32>
      %parallel_loop3A_25 = arith.constant 1856 : index
      %parallel_loop3A_26 = tpu.vector_load %arg6[%parallel_loop3A_25] {strides = array<i32>} : memref<1872xf32, #tpu.memory_space<vmem>>, vector<16xf32>,
      %parallel_loop3A_27 = arith.constant 0 : i32
      %parallel_loop3A_28 = vector.broadcast %parallel_loop3A_27 : i32 to vector<16xi32>
      %parallel_loop3A_29 = arith.addi %broadcast_in_dim3A_17, %parallel_loop3A_28 : vector<16xi32>
      %parallel_loop3A_30 = tpu.vector_load_idx %arg8[%parallel_loop3A_29, %parallel_loop3A_24] : memref<4x512xf32, #tpu.memory_space<vmem>>[vector<16xi32>, vector<16xi32>], vector<16xf32>,
      %parallel_loop3A_31 = arith.constant 1792 : index
      %parallel_loop3A_32 = tpu.vector_load %arg6[%parallel_loop3A_31] {strides = array<i32>} : memref<1872xf32, #tpu.memory_space<vmem>>, vector<16xf32>,
      %parallel_loop3A_33 = arith.mulf %parallel_loop3A_30, %parallel_loop3A_32 : vector<16xf32>
      %parallel_loop3A_34 = arith.addf %parallel_loop3A_26, %parallel_loop3A_33 : vector<16xf32>
      %parallel_loop3A_35 = arith.constant 1 : i32
      %parallel_loop3A_36 = vector.broadcast %parallel_loop3A_35 : i32 to vector<16xi32>
      %parallel_loop3A_37 = arith.addi %broadcast_in_dim3A_17, %parallel_loop3A_36 : vector<16xi32>
      %parallel_loop3A_38 = tpu.vector_load_idx %arg8[%parallel_loop3A_37, %parallel_loop3A_24] : memref<4x512xf32, #tpu.memory_space<vmem>>[vector<16xi32>, vector<16xi32>], vector<16xf32>,
      %parallel_loop3A_39 = arith.constant 1808 : index
      %parallel_loop3A_40 = tpu.vector_load %arg6[%parallel_loop3A_39] {strides = array<i32>} : memref<1872xf32, #tpu.memory_space<vmem>>, vector<16xf32>,
      %parallel_loop3A_41 = arith.mulf %parallel_loop3A_38, %parallel_loop3A_40 : vector<16xf32>
      %parallel_loop3A_42 = arith.addf %parallel_loop3A_34, %parallel_loop3A_41 : vector<16xf32>
      %parallel_loop3A_43 = arith.constant 2 : i32
      %parallel_loop3A_44 = vector.broadcast %parallel_loop3A_43 : i32 to vector<16xi32>
      %parallel_loop3A_45 = arith.addi %broadcast_in_dim3A_17, %parallel_loop3A_44 : vector<16xi32>
      %parallel_loop3A_46 = tpu.vector_load_idx %arg8[%parallel_loop3A_45, %parallel_loop3A_24] : memref<4x512xf32, #tpu.memory_space<vmem>>[vector<16xi32>, vector<16xi32>], vector<16xf32>,
      %parallel_loop3A_47 = arith.constant 1824 : index
      %parallel_loop3A_48 = tpu.vector_load %arg6[%parallel_loop3A_47] {strides = array<i32>} : memref<1872xf32, #tpu.memory_space<vmem>>, vector<16xf32>,
      %parallel_loop3A_49 = arith.mulf %parallel_loop3A_46, %parallel_loop3A_48 : vector<16xf32>
      %parallel_loop3A_50 = arith.addf %parallel_loop3A_42, %parallel_loop3A_49 : vector<16xf32>
      %parallel_loop3A_51 = arith.constant 3 : i32
      %parallel_loop3A_52 = vector.broadcast %parallel_loop3A_51 : i32 to vector<16xi32>
      %parallel_loop3A_53 = arith.addi %broadcast_in_dim3A_17, %parallel_loop3A_52 : vector<16xi32>
      %parallel_loop3A_54 = tpu.vector_load_idx %arg8[%parallel_loop3A_53, %parallel_loop3A_24] : memref<4x512xf32, #tpu.memory_space<vmem>>[vector<16xi32>, vector<16xi32>], vector<16xf32>,
      %parallel_loop3A_55 = arith.constant 1840 : index
      %parallel_loop3A_56 = tpu.vector_load %arg6[%parallel_loop3A_55] {strides = array<i32>} : memref<1872xf32, #tpu.memory_space<vmem>>, vector<16xf32>,
      %parallel_loop3A_57 = arith.mulf %parallel_loop3A_54, %parallel_loop3A_56 : vector<16xf32>
      %parallel_loop3A_58 = arith.addf %parallel_loop3A_50, %parallel_loop3A_57 : vector<16xf32>
      %parallel_loop3A_59 = arith.constant 0 : i32
      %parallel_loop3A_60 = vector.broadcast %parallel_loop3A_59 : i32 to vector<16xi32>
      %parallel_loop3A_61 = arith.addi %broadcast_in_dim3A_17, %parallel_loop3A_60 : vector<16xi32>
      %parallel_loop3A_62 = tpu.vector_load_idx %arg7[%parallel_loop3A_61, %parallel_loop3A_24] : memref<26x512xi32, #tpu.memory_space<vmem>>[vector<16xi32>, vector<16xi32>], vector<16xi32>,
      %parallel_loop3A_63 = tpu.vector_load_idx %arg6[%parallel_loop3A_62] : memref<1872xf32, #tpu.memory_space<vmem>>[vector<16xi32>], vector<16xf32>,
      %parallel_loop3A_64 = arith.addf %parallel_loop3A_58, %parallel_loop3A_63 : vector<16xf32>
      %parallel_loop3A_65 = arith.constant 1 : i32
      %parallel_loop3A_66 = vector.broadcast %parallel_loop3A_65 : i32 to vector<16xi32>
      %parallel_loop3A_67 = arith.addi %broadcast_in_dim3A_17, %parallel_loop3A_66 : vector<16xi32>
      %parallel_loop3A_68 = tpu.vector_load_idx %arg7[%parallel_loop3A_67, %parallel_loop3A_24] : memref<26x512xi32, #tpu.memory_space<vmem>>[vector<16xi32>, vector<16xi32>], vector<16xi32>,
      %parallel_loop3A_69 = tpu.vector_load_idx %arg6[%parallel_loop3A_68] : memref<1872xf32, #tpu.memory_space<vmem>>[vector<16xi32>], vector<16xf32>,
      %parallel_loop3A_70 = arith.addf %parallel_loop3A_64, %parallel_loop3A_69 : vector<16xf32>
      %parallel_loop3A_71 = arith.constant 2 : i32
      %parallel_loop3A_72 = vector.broadcast %parallel_loop3A_71 : i32 to vector<16xi32>
      %parallel_loop3A_73 = arith.addi %broadcast_in_dim3A_17, %parallel_loop3A_72 : vector<16xi32>
      %parallel_loop3A_74 = tpu.vector_load_idx %arg7[%parallel_loop3A_73, %parallel_loop3A_24] : memref<26x512xi32, #tpu.memory_space<vmem>>[vector<16xi32>, vector<16xi32>], vector<16xi32>,
      %parallel_loop3A_75 = tpu.vector_load_idx %arg6[%parallel_loop3A_74] : memref<1872xf32, #tpu.memory_space<vmem>>[vector<16xi32>], vector<16xf32>,
      %parallel_loop3A_76 = arith.addf %parallel_loop3A_70, %parallel_loop3A_75 : vector<16xf32>
      %parallel_loop3A_77 = arith.constant 3 : i32
      %parallel_loop3A_78 = vector.broadcast %parallel_loop3A_77 : i32 to vector<16xi32>
      %parallel_loop3A_79 = arith.addi %broadcast_in_dim3A_17, %parallel_loop3A_78 : vector<16xi32>
      %parallel_loop3A_80 = tpu.vector_load_idx %arg7[%parallel_loop3A_79, %parallel_loop3A_24] : memref<26x512xi32, #tpu.memory_space<vmem>>[vector<16xi32>, vector<16xi32>], vector<16xi32>,
      %parallel_loop3A_81 = tpu.vector_load_idx %arg6[%parallel_loop3A_80] : memref<1872xf32, #tpu.memory_space<vmem>>[vector<16xi32>], vector<16xf32>,
      %parallel_loop3A_82 = arith.addf %parallel_loop3A_76, %parallel_loop3A_81 : vector<16xf32>
      %parallel_loop3A_83 = arith.constant 4 : i32
      %parallel_loop3A_84 = vector.broadcast %parallel_loop3A_83 : i32 to vector<16xi32>
      %parallel_loop3A_85 = arith.addi %broadcast_in_dim3A_17, %parallel_loop3A_84 : vector<16xi32>
      %parallel_loop3A_86 = tpu.vector_load_idx %arg7[%parallel_loop3A_85, %parallel_loop3A_24] : memref<26x512xi32, #tpu.memory_space<vmem>>[vector<16xi32>, vector<16xi32>], vector<16xi32>,
      %parallel_loop3A_87 = tpu.vector_load_idx %arg6[%parallel_loop3A_86] : memref<1872xf32, #tpu.memory_space<vmem>>[vector<16xi32>], vector<16xf32>,
      %parallel_loop3A_88 = arith.addf %parallel_loop3A_82, %parallel_loop3A_87 : vector<16xf32>
      %parallel_loop3A_89 = arith.constant 5 : i32
      %parallel_loop3A_90 = vector.broadcast %parallel_loop3A_89 : i32 to vector<16xi32>
      %parallel_loop3A_91 = arith.addi %broadcast_in_dim3A_17, %parallel_loop3A_90 : vector<16xi32>
      %parallel_loop3A_92 = tpu.vector_load_idx %arg7[%parallel_loop3A_91, %parallel_loop3A_24] : memref<26x512xi32, #tpu.memory_space<vmem>>[vector<16xi32>, vector<16xi32>], vector<16xi32>,
      %parallel_loop3A_93 = tpu.vector_load_idx %arg6[%parallel_loop3A_92] : memref<1872xf32, #tpu.memory_space<vmem>>[vector<16xi32>], vector<16xf32>,
      %parallel_loop3A_94 = arith.addf %parallel_loop3A_88, %parallel_loop3A_93 : vector<16xf32>
      %parallel_loop3A_95 = arith.constant 6 : i32
      %parallel_loop3A_96 = vector.broadcast %parallel_loop3A_95 : i32 to vector<16xi32>
      %parallel_loop3A_97 = arith.addi %broadcast_in_dim3A_17, %parallel_loop3A_96 : vector<16xi32>
      %parallel_loop3A_98 = tpu.vector_load_idx %arg7[%parallel_loop3A_97, %parallel_loop3A_24] : memref<26x512xi32, #tpu.memory_space<vmem>>[vector<16xi32>, vector<16xi32>], vector<16xi32>,
      %parallel_loop3A_99 = tpu.vector_load_idx %arg6[%parallel_loop3A_98] : memref<1872xf32, #tpu.memory_space<vmem>>[vector<16xi32>], vector<16xf32>,
      %parallel_loop3A_100 = arith.addf %parallel_loop3A_94, %parallel_loop3A_99 : vector<16xf32>
      %parallel_loop3A_101 = arith.constant 7 : i32
      %parallel_loop3A_102 = vector.broadcast %parallel_loop3A_101 : i32 to vector<16xi32>
      %parallel_loop3A_103 = arith.addi %broadcast_in_dim3A_17, %parallel_loop3A_102 : vector<16xi32>
      %parallel_loop3A_104 = tpu.vector_load_idx %arg7[%parallel_loop3A_103, %parallel_loop3A_24] : memref<26x512xi32, #tpu.memory_space<vmem>>[vector<16xi32>, vector<16xi32>], vector<16xi32>,
      %parallel_loop3A_105 = tpu.vector_load_idx %arg6[%parallel_loop3A_104] : memref<1872xf32, #tpu.memory_space<vmem>>[vector<16xi32>], vector<16xf32>,
      %parallel_loop3A_106 = arith.addf %parallel_loop3A_100, %parallel_loop3A_105 : vector<16xf32>
      %parallel_loop3A_107 = arith.constant 8 : i32
      %parallel_loop3A_108 = vector.broadcast %parallel_loop3A_107 : i32 to vector<16xi32>
      %parallel_loop3A_109 = arith.addi %broadcast_in_dim3A_17, %parallel_loop3A_108 : vector<16xi32>
      %parallel_loop3A_110 = tpu.vector_load_idx %arg7[%parallel_loop3A_109, %parallel_loop3A_24] : memref<26x512xi32, #tpu.memory_space<vmem>>[vector<16xi32>, vector<16xi32>], vector<16xi32>,
      %parallel_loop3A_111 = tpu.vector_load_idx %arg6[%parallel_loop3A_110] : memref<1872xf32, #tpu.memory_space<vmem>>[vector<16xi32>], vector<16xf32>,
      %parallel_loop3A_112 = arith.addf %parallel_loop3A_106, %parallel_loop3A_111 : vector<16xf32>
      %parallel_loop3A_113 = arith.constant 9 : i32
      %parallel_loop3A_114 = vector.broadcast %parallel_loop3A_113 : i32 to vector<16xi32>
      %parallel_loop3A_115 = arith.addi %broadcast_in_dim3A_17, %parallel_loop3A_114 : vector<16xi32>
      %parallel_loop3A_116 = tpu.vector_load_idx %arg7[%parallel_loop3A_115, %parallel_loop3A_24] : memref<26x512xi32, #tpu.memory_space<vmem>>[vector<16xi32>, vector<16xi32>], vector<16xi32>,
      %parallel_loop3A_117 = tpu.vector_load_idx %arg6[%parallel_loop3A_116] : memref<1872xf32, #tpu.memory_space<vmem>>[vector<16xi32>], vector<16xf32>,
      %parallel_loop3A_118 = arith.addf %parallel_loop3A_112, %parallel_loop3A_117 : vector<16xf32>
      %parallel_loop3A_119 = arith.constant 10 : i32
      %parallel_loop3A_120 = vector.broadcast %parallel_loop3A_119 : i32 to vector<16xi32>
      %parallel_loop3A_121 = arith.addi %broadcast_in_dim3A_17, %parallel_loop3A_120 : vector<16xi32>
      %parallel_loop3A_122 = tpu.vector_load_idx %arg7[%parallel_loop3A_121, %parallel_loop3A_24] : memref<26x512xi32, #tpu.memory_space<vmem>>[vector<16xi32>, vector<16xi32>], vector<16xi32>,
      %parallel_loop3A_123 = tpu.vector_load_idx %arg6[%parallel_loop3A_122] : memref<1872xf32, #tpu.memory_space<vmem>>[vector<16xi32>], vector<16xf32>,
      %parallel_loop3A_124 = arith.addf %parallel_loop3A_118, %parallel_loop3A_123 : vector<16xf32>
      %parallel_loop3A_125 = arith.constant 11 : i32
      %parallel_loop3A_126 = vector.broadcast %parallel_loop3A_125 : i32 to vector<16xi32>
      %parallel_loop3A_127 = arith.addi %broadcast_in_dim3A_17, %parallel_loop3A_126 : vector<16xi32>
      %parallel_loop3A_128 = tpu.vector_load_idx %arg7[%parallel_loop3A_127, %parallel_loop3A_24] : memref<26x512xi32, #tpu.memory_space<vmem>>[vector<16xi32>, vector<16xi32>], vector<16xi32>,
      %parallel_loop3A_129 = tpu.vector_load_idx %arg6[%parallel_loop3A_128] : memref<1872xf32, #tpu.memory_space<vmem>>[vector<16xi32>], vector<16xf32>,
      %parallel_loop3A_130 = arith.addf %parallel_loop3A_124, %parallel_loop3A_129 : vector<16xf32>
      %parallel_loop3A_131 = arith.constant 12 : i32
      %parallel_loop3A_132 = vector.broadcast %parallel_loop3A_131 : i32 to vector<16xi32>
      %parallel_loop3A_133 = arith.addi %broadcast_in_dim3A_17, %parallel_loop3A_132 : vector<16xi32>
      %parallel_loop3A_134 = tpu.vector_load_idx %arg7[%parallel_loop3A_133, %parallel_loop3A_24] : memref<26x512xi32, #tpu.memory_space<vmem>>[vector<16xi32>, vector<16xi32>], vector<16xi32>,
      %parallel_loop3A_135 = tpu.vector_load_idx %arg6[%parallel_loop3A_134] : memref<1872xf32, #tpu.memory_space<vmem>>[vector<16xi32>], vector<16xf32>,
      %parallel_loop3A_136 = arith.addf %parallel_loop3A_130, %parallel_loop3A_135 : vector<16xf32>
      %parallel_loop3A_137 = arith.constant 13 : i32
      %parallel_loop3A_138 = vector.broadcast %parallel_loop3A_137 : i32 to vector<16xi32>
      %parallel_loop3A_139 = arith.addi %broadcast_in_dim3A_17, %parallel_loop3A_138 : vector<16xi32>
      %parallel_loop3A_140 = tpu.vector_load_idx %arg7[%parallel_loop3A_139, %parallel_loop3A_24] : memref<26x512xi32, #tpu.memory_space<vmem>>[vector<16xi32>, vector<16xi32>], vector<16xi32>,
      %parallel_loop3A_141 = tpu.vector_load_idx %arg6[%parallel_loop3A_140] : memref<1872xf32, #tpu.memory_space<vmem>>[vector<16xi32>], vector<16xf32>,
      %parallel_loop3A_142 = arith.addf %parallel_loop3A_136, %parallel_loop3A_141 : vector<16xf32>
      %parallel_loop3A_143 = arith.constant 14 : i32
      %parallel_loop3A_144 = vector.broadcast %parallel_loop3A_143 : i32 to vector<16xi32>
      %parallel_loop3A_145 = arith.addi %broadcast_in_dim3A_17, %parallel_loop3A_144 : vector<16xi32>
      %parallel_loop3A_146 = tpu.vector_load_idx %arg7[%parallel_loop3A_145, %parallel_loop3A_24] : memref<26x512xi32, #tpu.memory_space<vmem>>[vector<16xi32>, vector<16xi32>], vector<16xi32>,
      %parallel_loop3A_147 = tpu.vector_load_idx %arg6[%parallel_loop3A_146] : memref<1872xf32, #tpu.memory_space<vmem>>[vector<16xi32>], vector<16xf32>,
      %parallel_loop3A_148 = arith.addf %parallel_loop3A_142, %parallel_loop3A_147 : vector<16xf32>
      %parallel_loop3A_149 = arith.constant 15 : i32
      %parallel_loop3A_150 = vector.broadcast %parallel_loop3A_149 : i32 to vector<16xi32>
      %parallel_loop3A_151 = arith.addi %broadcast_in_dim3A_17, %parallel_loop3A_150 : vector<16xi32>
      %parallel_loop3A_152 = tpu.vector_load_idx %arg7[%parallel_loop3A_151, %parallel_loop3A_24] : memref<26x512xi32, #tpu.memory_space<vmem>>[vector<16xi32>, vector<16xi32>], vector<16xi32>,
      %parallel_loop3A_153 = tpu.vector_load_idx %arg6[%parallel_loop3A_152] : memref<1872xf32, #tpu.memory_space<vmem>>[vector<16xi32>], vector<16xf32>,
      %parallel_loop3A_154 = arith.addf %parallel_loop3A_148, %parallel_loop3A_153 : vector<16xf32>
      %parallel_loop3A_155 = arith.constant 16 : i32
      %parallel_loop3A_156 = vector.broadcast %parallel_loop3A_155 : i32 to vector<16xi32>
      %parallel_loop3A_157 = arith.addi %broadcast_in_dim3A_17, %parallel_loop3A_156 : vector<16xi32>
      %parallel_loop3A_158 = tpu.vector_load_idx %arg7[%parallel_loop3A_157, %parallel_loop3A_24] : memref<26x512xi32, #tpu.memory_space<vmem>>[vector<16xi32>, vector<16xi32>], vector<16xi32>,
      %parallel_loop3A_159 = tpu.vector_load_idx %arg6[%parallel_loop3A_158] : memref<1872xf32, #tpu.memory_space<vmem>>[vector<16xi32>], vector<16xf32>,
      %parallel_loop3A_160 = arith.addf %parallel_loop3A_154, %parallel_loop3A_159 : vector<16xf32>
      %parallel_loop3A_161 = arith.constant 17 : i32
      %parallel_loop3A_162 = vector.broadcast %parallel_loop3A_161 : i32 to vector<16xi32>
      %parallel_loop3A_163 = arith.addi %broadcast_in_dim3A_17, %parallel_loop3A_162 : vector<16xi32>
      %parallel_loop3A_164 = tpu.vector_load_idx %arg7[%parallel_loop3A_163, %parallel_loop3A_24] : memref<26x512xi32, #tpu.memory_space<vmem>>[vector<16xi32>, vector<16xi32>], vector<16xi32>,
      %parallel_loop3A_165 = tpu.vector_load_idx %arg6[%parallel_loop3A_164] : memref<1872xf32, #tpu.memory_space<vmem>>[vector<16xi32>], vector<16xf32>,
      %parallel_loop3A_166 = arith.addf %parallel_loop3A_160, %parallel_loop3A_165 : vector<16xf32>
      %parallel_loop3A_167 = arith.constant 18 : i32
      %parallel_loop3A_168 = vector.broadcast %parallel_loop3A_167 : i32 to vector<16xi32>
      %parallel_loop3A_169 = arith.addi %broadcast_in_dim3A_17, %parallel_loop3A_168 : vector<16xi32>
      %parallel_loop3A_170 = tpu.vector_load_idx %arg7[%parallel_loop3A_169, %parallel_loop3A_24] : memref<26x512xi32, #tpu.memory_space<vmem>>[vector<16xi32>, vector<16xi32>], vector<16xi32>,
      %parallel_loop3A_171 = tpu.vector_load_idx %arg6[%parallel_loop3A_170] : memref<1872xf32, #tpu.memory_space<vmem>>[vector<16xi32>], vector<16xf32>,
      %parallel_loop3A_172 = arith.addf %parallel_loop3A_166, %parallel_loop3A_171 : vector<16xf32>
      %parallel_loop3A_173 = arith.constant 19 : i32
      %parallel_loop3A_174 = vector.broadcast %parallel_loop3A_173 : i32 to vector<16xi32>
      %parallel_loop3A_175 = arith.addi %broadcast_in_dim3A_17, %parallel_loop3A_174 : vector<16xi32>
      %parallel_loop3A_176 = tpu.vector_load_idx %arg7[%parallel_loop3A_175, %parallel_loop3A_24] : memref<26x512xi32, #tpu.memory_space<vmem>>[vector<16xi32>, vector<16xi32>], vector<16xi32>,
      %parallel_loop3A_177 = tpu.vector_load_idx %arg6[%parallel_loop3A_176] : memref<1872xf32, #tpu.memory_space<vmem>>[vector<16xi32>], vector<16xf32>,
      %parallel_loop3A_178 = arith.addf %parallel_loop3A_172, %parallel_loop3A_177 : vector<16xf32>
      %parallel_loop3A_179 = arith.constant 20 : i32
      %parallel_loop3A_180 = vector.broadcast %parallel_loop3A_179 : i32 to vector<16xi32>
      %parallel_loop3A_181 = arith.addi %broadcast_in_dim3A_17, %parallel_loop3A_180 : vector<16xi32>
      %parallel_loop3A_182 = tpu.vector_load_idx %arg7[%parallel_loop3A_181, %parallel_loop3A_24] : memref<26x512xi32, #tpu.memory_space<vmem>>[vector<16xi32>, vector<16xi32>], vector<16xi32>,
      %parallel_loop3A_183 = tpu.vector_load_idx %arg6[%parallel_loop3A_182] : memref<1872xf32, #tpu.memory_space<vmem>>[vector<16xi32>], vector<16xf32>,
      %parallel_loop3A_184 = arith.addf %parallel_loop3A_178, %parallel_loop3A_183 : vector<16xf32>
      %parallel_loop3A_185 = arith.constant 21 : i32
      %parallel_loop3A_186 = vector.broadcast %parallel_loop3A_185 : i32 to vector<16xi32>
      %parallel_loop3A_187 = arith.addi %broadcast_in_dim3A_17, %parallel_loop3A_186 : vector<16xi32>
      %parallel_loop3A_188 = tpu.vector_load_idx %arg7[%parallel_loop3A_187, %parallel_loop3A_24] : memref<26x512xi32, #tpu.memory_space<vmem>>[vector<16xi32>, vector<16xi32>], vector<16xi32>,
      %parallel_loop3A_189 = tpu.vector_load_idx %arg6[%parallel_loop3A_188] : memref<1872xf32, #tpu.memory_space<vmem>>[vector<16xi32>], vector<16xf32>,
      %parallel_loop3A_190 = arith.addf %parallel_loop3A_184, %parallel_loop3A_189 : vector<16xf32>
      %parallel_loop3A_191 = arith.constant 22 : i32
      %parallel_loop3A_192 = vector.broadcast %parallel_loop3A_191 : i32 to vector<16xi32>
      %parallel_loop3A_193 = arith.addi %broadcast_in_dim3A_17, %parallel_loop3A_192 : vector<16xi32>
      %parallel_loop3A_194 = tpu.vector_load_idx %arg7[%parallel_loop3A_193, %parallel_loop3A_24] : memref<26x512xi32, #tpu.memory_space<vmem>>[vector<16xi32>, vector<16xi32>], vector<16xi32>,
      %parallel_loop3A_195 = tpu.vector_load_idx %arg6[%parallel_loop3A_194] : memref<1872xf32, #tpu.memory_space<vmem>>[vector<16xi32>], vector<16xf32>,
      %parallel_loop3A_196 = arith.addf %parallel_loop3A_190, %parallel_loop3A_195 : vector<16xf32>
      %parallel_loop3A_197 = arith.constant 23 : i32
      %parallel_loop3A_198 = vector.broadcast %parallel_loop3A_197 : i32 to vector<16xi32>
      %parallel_loop3A_199 = arith.addi %broadcast_in_dim3A_17, %parallel_loop3A_198 : vector<16xi32>
      %parallel_loop3A_200 = tpu.vector_load_idx %arg7[%parallel_loop3A_199, %parallel_loop3A_24] : memref<26x512xi32, #tpu.memory_space<vmem>>[vector<16xi32>, vector<16xi32>], vector<16xi32>,
      %parallel_loop3A_201 = tpu.vector_load_idx %arg6[%parallel_loop3A_200] : memref<1872xf32, #tpu.memory_space<vmem>>[vector<16xi32>], vector<16xf32>,
      %parallel_loop3A_202 = arith.addf %parallel_loop3A_196, %parallel_loop3A_201 : vector<16xf32>
      %parallel_loop3A_203 = arith.constant 24 : i32
      %parallel_loop3A_204 = vector.broadcast %parallel_loop3A_203 : i32 to vector<16xi32>
      %parallel_loop3A_205 = arith.addi %broadcast_in_dim3A_17, %parallel_loop3A_204 : vector<16xi32>
      %parallel_loop3A_206 = tpu.vector_load_idx %arg7[%parallel_loop3A_205, %parallel_loop3A_24] : memref<26x512xi32, #tpu.memory_space<vmem>>[vector<16xi32>, vector<16xi32>], vector<16xi32>,
      %parallel_loop3A_207 = tpu.vector_load_idx %arg6[%parallel_loop3A_206] : memref<1872xf32, #tpu.memory_space<vmem>>[vector<16xi32>], vector<16xf32>,
      %parallel_loop3A_208 = arith.addf %parallel_loop3A_202, %parallel_loop3A_207 : vector<16xf32>
      %parallel_loop3A_209 = arith.constant 25 : i32
      %parallel_loop3A_210 = vector.broadcast %parallel_loop3A_209 : i32 to vector<16xi32>
      %parallel_loop3A_211 = arith.addi %broadcast_in_dim3A_17, %parallel_loop3A_210 : vector<16xi32>
      %parallel_loop3A_212 = tpu.vector_load_idx %arg7[%parallel_loop3A_211, %parallel_loop3A_24] : memref<26x512xi32, #tpu.memory_space<vmem>>[vector<16xi32>, vector<16xi32>], vector<16xi32>,
      %parallel_loop3A_213 = tpu.vector_load_idx %arg6[%parallel_loop3A_212] : memref<1872xf32, #tpu.memory_space<vmem>>[vector<16xi32>], vector<16xf32>,
      %parallel_loop3A_214 = arith.addf %parallel_loop3A_208, %parallel_loop3A_213 : vector<16xf32>
      %parallel_loop3A_215 = arith.constant 0.000000e+00 : f32
      %parallel_loop3A_216 = vector.broadcast %parallel_loop3A_215 : f32 to vector<16xf32>
      %parallel_loop3A_217 = arith.subf %parallel_loop3A_216, %parallel_loop3A_214 : vector<16xf32>
      %parallel_loop3A_218 = math.exp %parallel_loop3A_217 : vector<16xf32>
      %parallel_loop3A_219 = arith.constant 1.000000e+00 : f32
      %parallel_loop3A_220 = vector.broadcast %parallel_loop3A_219 : f32 to vector<16xf32>
      %parallel_loop3A_221 = arith.addf %parallel_loop3A_220, %parallel_loop3A_218 : vector<16xf32>
      %parallel_loop3A_222 = arith.constant 1.000000e+00 : f32
      %parallel_loop3A_223 = vector.broadcast %parallel_loop3A_222 : f32 to vector<16xf32>
      %parallel_loop3A_224 = arith.divf %parallel_loop3A_223, %parallel_loop3A_221 : vector<16xf32>
      %parallel_loop3A_225 = arith.constant 16 : i32
      %parallel_loop3A_226 = arith.muli %parallel_loop3A_20, %parallel_loop3A_225 : i32
      %parallel_loop3A_227 = arith.index_cast %parallel_loop3A_226 : i32 to index
      %parallel_loop3A_228 = tpu.vector_load %arg9[%parallel_loop3A_227] {strides = array<i32>} : memref<512xf32, #tpu.memory_space<vmem>>, vector<16xf32>,
      tpu.vector_store %arg9[%parallel_loop3A_227], %parallel_loop3A_224 {strides = array<i32>} : memref<512xf32, #tpu.memory_space<vmem>>, vector<16xf32>,
    } {sc.loop_unroll_factor = 2 : i64, sc.parallel_access}
    "tpu.region"() ({
      %run_scoped3A = tpu.sem_alloc : memref<!tpu.dma_semaphore, #tpu.memory_space<semaphore_mem>>
      %dma_start3A_20 = tpu.memref_slice %arg5[%mul3A_2] : memref<16384xf32, #tpu.memory_space<hbm>> -> memref<512xf32, #tpu.memory_space<hbm>>
      %dma_start3A_21 = tpu.memref_slice %arg5[%mul3A_2] : memref<16384xf32, #tpu.memory_space<hbm>> -> memref<512xf32, #tpu.memory_space<hbm>>
      tpu.enqueue_dma source(%arg9 : memref<512xf32, #tpu.memory_space<vmem>>) target(%dma_start3A_21 : memref<512xf32, #tpu.memory_space<hbm>>) target_semaphore(%run_scoped3A : memref<!tpu.dma_semaphore, #tpu.memory_space<semaphore_mem>>)
      %dma_wait3A_22 = tpu.memref_slice %arg5[%mul3A_2] : memref<16384xf32, #tpu.memory_space<hbm>> -> memref<512xf32, #tpu.memory_space<hbm>>
      %dma_wait3A_23 = tpu.memref_slice %arg5[%mul3A_2] : memref<16384xf32, #tpu.memory_space<hbm>> -> memref<512xf32, #tpu.memory_space<hbm>>
      tpu.wait_dma2 semaphore(%run_scoped3A : memref<!tpu.dma_semaphore, #tpu.memory_space<semaphore_mem>>) src(%arg9 : memref<512xf32, #tpu.memory_space<vmem>>) dst(%dma_wait3A_23 : memref<512xf32, #tpu.memory_space<hbm>>)
      tpu.yield
    }) : () -> ()
    return
  }
}

</mosaic_0001>

<sc_bundles>
// kernel: _run.3.cloned.1.call-start
scs
__scs_entry_jumppad:
0x0: {  	(pc) =	sbr.rel $0x88, $3  }
0x1: {  	(tag) =	ssettag $0x0;
	lr =	simm.s32 $0x1  }
0x2: {  	[smem:$0x3F9E] =	sst lr;
	_ =	strace $0xD0000000  }
0x3: {  	_ = 	snop  }
0x4: {  	_ = 	snop  }
0x5: {  	_ = 	snop  }
0x6: {  	_ = 	snop  }
0x7: {  	_ = 	snop  }
__scs_overlays_trampoline_lowered:
0x8: {  	[smem:$0x3FAD] =	sst s0  }
0x9: {  	[smem:$0x3FAE] =	sst s1  }
0xa: {  	[smem:$0x3FAF] =	sst s2  }
0xb: {  	[smem:$0x3FB0] =	sst s3  }
0xc: {  	[smem:$0x3FB1] =	sst s4  }
0xd: {  	[smem:$0x3FB2] =	sst s5  }
0xe: {  	[smem:$0x3FB3] =	sst s6  }
0xf: {  	[smem:$0x3FB4] =	sst s7  }
0x10: {  	[smem:$0x3FB5] =	sst s8  }
0x11: {  	[smem:$0x3FB6] =	sst s9;
	s0 =	simm.s32 @!p0 $0x0  }
0x12: {  	s1 =	sld [smem:$0x3F9C];
	s0 =	simm.s32 @p0 $0x1  }
0x13: {  	[smem:$0x3FB7] =	sst s0;
	s0 =	simm.s32 @!p1 $0x0  }
0x14: {  	s2 =	sld [smem:$0x3F9B];
	s0 =	simm.s32 @p1 $0x1  }
0x15: {  	[smem:$0x3FB8] =	sst s0;
	s0 =	simm.s32 @!p2 $0x0  }
0x16: {  	s3 =	sld [smem:$0x3FDB];
	s0 =	simm.s32 @p2 $0x1  }
0x17: {  	s4 =	simm.s32 $0x1BF5;
	[smem:$0x3FBA] =	sst s0  }
0x18: {  	s0 =	sld [smem:$0x3F9D];
	_ =	swait.ge [sflag:s4], $0x0  }
0x19: {  	s7 =	sld [smem:$0x3F9E]  }
0x1a: {  	s8 =	sadd.s32 $0xFFFFE003, lr  }
0x1b: {  	s9 =	sadd.s32 $0xFFFFFEF7, lr;
	s5 =	simm.s32 $0xFFFFFFFF;
	p2 =	slt.u32 s8, $0xFFFFF086  }
0x1c: {  	p1 =	slt.u32 s9, $0xF7A;
	s5 =	simm.s32 @!p2 $0x0  }
0x1d: {  	s5 =	simm.s32 @p1 $0x1;
	p0 =	seq.s32 s7, s2  }
0x1e: {  	s7 =	smul.u32 @!p0 $0xF7A, s2;
	p2 =	seq.s32 @!p0 s5, $0x0  }
0x1f: {  	s9 =	smul.u32 $0xF7A, s1;
	s8 =	simm.s32 @!p0 $0x1BF5;
	p2 =	por !p2, p0  }
0x20: {  	[sflag:s8] =	ssyncset.s32 @!p0 $0xFFFFF086;
	s6 =	sadd.s32 @!p0 s3, s7;
	s7 =	simm.s32 @!p0 $0x108  }
0x21: {  	s3 =	sadd.s32 s3, s9;
	s6 =	sadd.s32 @!p0 $0x88, s6;
	s7 =	simm.s32 @p2 $0x1082  }
0x22: {  	[simem:s7], [sflag:s8] =	dma.local @!p0 [hbm:s6], $0xF7A  }
0x23: {  	s9 =	sor.u32 $0xD0000000, s2;
	s6 =	simm.s32 $0x108;
	_ =	swait.ge @!p0 [sflag:s8], $0x0  }
0x24: {  	s3 =	sadd.s32 $0x88, s3;
	s6 =	simm.s32 @!p1 $0x1082;
	[sflag:s4] =	ssyncset.s32 $0xFFFFF086  }
0x25: {  	[simem:s6], [sflag:s4] =	dma.local [hbm:s3], $0xF7A  }
0x26: {  	[smem:$0x3F9E] =	sst s1;
	(tag) =	ssettag s2;
	_ =	strace s9  }
0x27: {  	s1 =	sld [smem:$0x3FAE]  }
0x28: {  	s2 =	sld [smem:$0x3FAF]  }
0x29: {  	s4 =	sld [smem:$0x3FB1]  }
0x2a: {  	p0 =	seq.s32 s5, $0x0;
	s5 =	sld [smem:$0x3FB2]  }
0x2b: {  	s6 =	sld [smem:$0x3FB3]  }
0x2c: {  	s7 =	sld [smem:$0x3FB4]  }
0x2d: {  	s3 =	simm.s32 $0x108;
	s8 =	sld [smem:$0x3FB5]  }
0x2e: {  	s3 =	simm.s32 @!p0 $0x1082;
	s9 =	sld [smem:$0x3FB6]  }
0x2f: {  	lr =	sadd.s32 s0, s3;
	s0 =	sld [smem:$0x3FAD]  }
0x30: {  	s3 =	sld [smem:$0x3FB0]  }
0x31: {  	[smem:$0x3FB9] =	sst s10  }
0x32: {  	s10 =	sld [smem:$0x3FB7];
	_ =	sdelay $0x3  }
0x33: {  	p0 =	seq.s32 s10, $0x1;
	s10 =	sld [smem:$0x3FB9];
	_ =	sdelay $0x3  }
0x34: {  	[smem:$0x3FB9] =	sst s10  }
0x35: {  	s10 =	sld [smem:$0x3FB8];
	_ =	sdelay $0x3  }
0x36: {  	p1 =	seq.s32 s10, $0x1;
	s10 =	sld [smem:$0x3FB9];
	_ =	sdelay $0x3  }
0x37: {  	[smem:$0x3FB9] =	sst s10  }
0x38: {  	s10 =	sld [smem:$0x3FBA]  }
0x39: {  	_ = 	snop;
	(pc) =	sbr.ind lr, $3  }
0x3a: {  	_ = 	snop  }
0x3b: {  	_ = 	snop  }
0x3c: {  	p2 =	seq.s32 s10, $0x1;
	s10 =	sld [smem:$0x3FB9]  }
0x3d: {  	_ =	shalt  }
0x3e: {  	_ =	shalt  }
0x3f: {  	_ =	shalt  }
0x40: {  	_ =	shalt  }
0x41: {  	_ =	shalt  }
0x42: {  	_ =	shalt  }
0x43: {  	_ =	shalt  }
0x44: {  	_ =	shalt  }
0x45: {  	_ =	shalt  }
0x46: {  	_ =	shalt  }
0x47: {  	_ =	shalt  }
0x48: {  	_ =	shalt  }
0x49: {  	_ =	shalt  }
0x4a: {  	_ =	shalt  }
0x4b: {  	_ =	shalt  }
0x4c: {  	_ =	shalt  }
0x4d: {  	_ =	shalt  }
0x4e: {  	_ =	shalt  }
0x4f: {  	_ =	shalt  }
0x50: {  	_ =	shalt  }
0x51: {  	_ =	shalt  }
0x52: {  	_ =	shalt  }
0x53: {  	_ =	shalt  }
0x54: {  	_ =	shalt  }
0x55: {  	_ =	shalt  }
0x56: {  	_ =	shalt  }
0x57: {  	_ =	shalt  }
0x58: {  	_ =	shalt  }
0x59: {  	_ =	shalt  }
0x5a: {  	_ =	shalt  }
0x5b: {  	_ =	shalt  }
0x5c: {  	_ =	shalt  }
0x5d: {  	_ =	shalt  }
0x5e: {  	_ =	shalt  }
0x5f: {  	_ =	shalt  }
0x60: {  	_ =	shalt  }
0x61: {  	_ =	shalt  }
0x62: {  	_ =	shalt  }
0x63: {  	_ =	shalt  }
0x64: {  	_ =	shalt  }
0x65: {  	_ =	shalt  }
0x66: {  	_ =	shalt  }
0x67: {  	_ =	shalt  }
0x68: {  	_ =	shalt  }
0x69: {  	_ =	shalt  }
0x6a: {  	_ =	shalt  }
0x6b: {  	_ =	shalt  }
0x6c: {  	_ =	shalt  }
0x6d: {  	_ =	shalt  }
0x6e: {  	_ =	shalt  }
0x6f: {  	_ =	shalt  }
0x70: {  	_ =	shalt  }
0x71: {  	_ =	shalt  }
0x72: {  	_ =	shalt  }
0x73: {  	_ =	shalt  }
0x74: {  	_ =	shalt  }
0x75: {  	_ =	shalt  }
0x76: {  	_ =	shalt  }
0x77: {  	_ =	shalt  }
0x78: {  	_ =	shalt  }
0x79: {  	_ =	shalt  }
0x7a: {  	_ =	shalt  }
0x7b: {  	_ =	shalt  }
0x7c: {  	_ =	shalt  }
0x7d: {  	_ =	shalt  }
0x7e: {  	_ =	shalt  }
0x7f: {  	_ =	shalt  }
0x80: {  	_ =	shalt  }
0x81: {  	_ =	shalt  }
0x82: {  	_ =	shalt  }
0x83: {  	_ =	shalt  }
0x84: {  	_ =	shalt  }
0x85: {  	_ =	shalt  }
0x86: {  	_ =	shalt  }
0x87: {  	_ =	shalt  }
.Lfunc_end0:
.L_simem_size_0:
called_computation_lowered:
.L_overlay_start_0:
0x88: {  	s2 =	sld [smem:$0x3FD9]  }
0x89: {  	s3 =	sld [smem:$0x3FFE];
	_ =	sdelay $0x1  }
0x8a: {  	s1 =	srdreg.scid  }
0x8b: {  	s0 =	sand.u32 $0x1, s1  }
0x8c: {  	s18 =	sshll.u32 s0, $0xA;
	s2 =	sadd.s32 s3, s2  }
0x8d: {  	s2 =	sadd.s32 s2, s18  }
0x8e: {  	[smem:$0x3FC5] =	sst s2  }
0x8f: {  	_ = 	snop  }
0x90: {  	s2 =	sld [smem:$0x3FC9]  }
0x91: {  	s19 =	sld [smem:$0x3FC8]  }
0x92: {  	s4 =	sld [smem:$0x3FC7]  }
0x93: {  	s5 =	sld [smem:$0x3FD0];
	(tm) =	ssettm $0x1  }
0x94: {  	s6 =	sld [smem:$0x3FFB];
	_ =	sdelay $0x3  }
0x95: {  	_ =	strace s6  }
0x96: {  	s6 =	sld [smem:$0x3FFC];
	_ =	sdelay $0x3  }
0x97: {  	_ =	strace s6  }
0x98: {  	s6 =	sld [smem:$0x3FFD];
	_ =	sdelay $0x3  }
0x99: {  	_ =	strace s6  }
0x9a: {  	_ =	strace $0x8FFFFFFF  }
0x9b: {  	s20 =	sld [smem:$0x3FDB];
	_ =	sdelay $0x1  }
0x9c: {  	s7 =	simm.s32 $_scs_section_size  }
0x9d: {  	s8 =	simm.s32 $_size__tile_overlayer_lowered;
	s9 =	simm.s32 $_tile_overlayer_lowered  }
0x9e: {  	s23 =	simm.s32 $0x1BFF;
	s22 =	sshll.u32 s9, $0x1;
	s6 =	sadd.s32 s7, s20  }
0x9f: {  	s10 =	simm.s32 $0x0;
	s21 =	sshll.u32 s8, $0x1;
	s8 =	sadd.s32 s22, s6  }
0xa0: {  	[timem:s10], [sflag:s23] =	dma.local [hbm:s8], s21  }
0xa1: {  	_ =	swait.ge [sflag:s23], s21  }
0xa2: {  	s7 =	ssub.s32 $0x0, s21;
	[sflag:s23] =	ssyncset.done $0x0  }
0xa3: {  	[sflag:s23] =	ssyncadd.s32 s7;
	_ =	sdelay $0x1  }
0xa4: {  	s24 =	simm.s32 $0x1B8B  }
0xa5: {  	_ =	swait.ge [sflag:s24], $0x1  }
0xa6: {  	[sflag:s24] =	ssyncset.done $0x0  }
0xa7: {  	s25 =	simm.s32 $0x1B8E;
	[sflag:s24] =	ssyncadd.s32 $0xFFFFFFFF  }
0xa8: {  	s26 =	simm.s32 $execute0_lowered;
	[smem:$0x3FD2] =	sst s25  }
0xa9: {  	s7 =	sshll.u32 s26, $0x1;
	_ =	strace $0x80000046;
	[dreg:$0x1] =	wrdreg $0xFFFFFFFF  }
0xaa: {  	s28 =	simm.s32 $_size_execute0_lowered;
	s6 =	sadd.s32 s6, s7;
	[dreg:$0x0] =	wrdreg $0x0  }
0xab: {  	s7 =	sshll.u32 s28, $0x1;
	[dreg:$0x2] =	wrdreg s6  }
0xac: {  	[dreg:$0x3] =	wrdreg s7  }
0xad: {  	[dreg:$0x4] =	wrdreg $0xC0  }
0xae: {  	_ =	task [dreg:s10], $0x5FFFF  }
0xaf: {  	[dreg:$0x1] =	wrdreg $0xFFFFFFFF  }
0xb0: {  	[dreg:$0x0] =	wrdreg $0x60  }
0xb1: {  	[dreg:$0x2] =	wrdreg s2  }
0xb2: {  	[dreg:$0x3] =	wrdreg s19  }
0xb3: {  	[dreg:$0x4] =	wrdreg s4  }
0xb4: {  	[dreg:$0x5] =	wrdreg s5  }
0xb5: {  	[dreg:$0x6] =	wrdreg $0x9  }
0xb6: {  	_ =	task.clear_ibuf [dreg:s10], $0x7FFFF;
	_ =	strace $0x90000046  }
0xb7: {  	s29 =	simm.s32 $0x9;
	_ =	strace $0x80000048  }
0xb8: {  	_ =	swait.ge [sflag:s29], $0x1  }
0xb9: {  	[sflag:s29] =	ssyncadd.s32 $0xFFFFFFFF  }
0xba: {  	_ =	strace $0x90000048  }
0xbb: {  	_ =	sfence  }
0xbc: {  	s30 =	sld [smem:$0x0];
	_ =	sdelay $0x2  }
0xbd: {  	s31 =	sshll.u32 s1, $0xD;
	s1 =	sshrl.u32 s1, $0x2  }
0xbe: {  	s3 =	sand.u32 $0x4000, s31;
	s1 =	sadd.s32 s1, s30  }
0xbf: {  	s0 =	sor.u32 s3, s0;
	s1 =	sshll.u32 s1, $0x11  }
0xc0: {  	s0 =	sor.u32 s1, s0  }
0xc1: {  	s0 =	sadd.s32 $0x8F2B, s0  }
0xc2: {  	[sflag:s0] =	ssyncadd.remote.s32 $0x1  }
0xc3: {  	_ =	sfence.sel $0xFFFF  }
0xc4: {  	[dreg:$0x0] =	wrdreg $0xFFFFFFFF;
	(pc) =	sbr.abs _section_cstart, $3  }
0xc5: {  	[dreg:$0x1] =	wrdreg $0xFFFFFFFF  }
0xc6: {  	_ =	task.clear_ibuf [dreg:s10], $0x2FFFF;
	_ =	strace $0x9FFFFFFF  }
0xc7: {  	(tm) =	ssettm $0x7FFFFFFF  }
tec
execute0_lowered:
.L_overlay_start_1:
0x0: {  	(tag) =	ssettag $0x1  }
0x1: {  	s1 =	rddreg [dreg:$0x0]  }
0x2: {  	s4 =	rddreg [dreg:$0x1]  }
0x3: {  	s5 =	rddreg [dreg:$0x2]  }
0x4: {  	s6 =	rddreg [dreg:$0x3]  }
0x5: {  	s0 =	rddreg [dreg:$0x4];
	s3 =	simm.s32 $0x0;
	s7 =	srdreg.scid  }
0x6: {  	s2 =	stileid.u32;
	s11 =	simm.s32 $0x4780;
	s12 =	simm.s32 $0x1  }
0x7: {  	s13 =	simm.s32 $0x4F80;
	s14 =	simm.s32 $0x2;
	s7 =	sand.u32 $0x1, s7  }
0x8: {  	s15 =	simm.s32 $0x0;
	[smem:$0x7FF] =	sst s3;
	s8 =	ssub.s32 $0x2, s7  }
0x9: {  	s9 =	sshll.u32 s2, $0xA;
	s7 =	sshll.u32 s7, $0x9;
	s10 =	sshrl.u32 s8, $0x1  }
0xa: {  	_ =	strace $0x80000047;
	s7 =	sor.u32 s7, s9;
	s8 =	ssub.s32 s8, s10  }
0xb: {  	s9 =	sshrl.u32 s7, $0x1;
	s31 =	sshrl.u32 s7, $0x3;
	s4 =	sadd.s32 s4, s7  }
0xc: {  	s10 =	simm.s32 $0x780;
	s5 =	sadd.s32 s5, s9;
	s6 =	sadd.s32 s6, s31  }
0xd: {  	v0 =	vlaneseq.u32;
	s7 =	smax.u32 s8, $0x1;
	s8 =	simm.s32 $0x1000;
	s9 =	simm.s32 $0x20000  }
.LBB2_1:
0xe: {  	[tilespmem:s3], [sflag:$0x1] =	stream.linear.gather [hbm4b:s1+s3], $0x780, $0x38;
	[tilespmem:$0x5180] =	vst v63  }
0xf: {  	_ = 	snop  }
0x10: {  	[tilespmem:s10], [sflag:$0x1] =	stream.strided.gather [hbm4b:s4+s8], $0x4000, s9, s8, $0x38;
	[tilespmem:$0x5180] =	vst v63  }
0x11: {  	_ = 	snop  }
0x12: {  	[tilespmem:s11], [sflag:$0x1] =	stream.linear.gather [hbm4b:s5+s3], $0x800, $0x38;
	[tilespmem:$0x5180] =	vst v63  }
0x13: {  	s16 =	simm.s32 $0x0;
	_ =	swait.ge [sflag:s12], $0x780  }
0x14: {  	v1 =	vmov s16;
	[sflag:s12] =	ssyncset.done $0x0  }
0x15: {  	v2 =	vor.u32 s16, v0;
	v1 =	vshrl.u32 v1, $0x7;
	[sflag:s12] =	ssyncadd.s32 $0xFFFFF880  }
0x16: {  	v2 =	vand.u32 $0x6F, v2;
	v3 =	vshll.u32 v1, $0x9;
	_ =	swait.ge [sflag:s12], $0x4000  }
0x17: {  	v1 =	vshll.u32 v1, $0xA;
	v3 =	vor.u32 v2, v3;
	[sflag:s12] =	ssyncset.done $0x0  }
0x18: {  	v1 =	vor.u32 v2, v1;
	[sflag:s12] =	ssyncadd.s32 $0xFFFFC000  }
0x19: {  	v2 =	vor.u32 $0x80, v3;
	_ =	swait.ge [sflag:s12], $0x800  }
0x1a: {  	v4 =	vor.u32 $0x80, v1;
	[sflag:s12] =	ssyncset.done $0x0  }
0x1b: {  	v5 =	vor.u32 $0x100, v3;
	[sflag:s12] =	ssyncadd.s32 $0xFFFFF800  }
0x1c: {  	v6 =	vor.u32 $0x100, v1;
	v60 =	vld.idx.msk [tilespmem:v3+s11+$0x0], $0xffff  }
0x1d: {  	v8 =	vor.u32 $0x200, v1;
	v7 =	vld.idx.msk [tilespmem:v1+s10+$0x0], $0xffff  }
0x1e: {  	v59 =	vld.idx.msk [tilespmem:v2+s11+$0x0], $0xffff  }
0x1f: {  	v3 =	vor.u32 $0x180, v3;
	v4 =	vld.idx.msk [tilespmem:v4+s10+$0x0], $0xffff  }
0x20: {  	v2 =	vor.u32 $0x180, v1;
	v58 =	vld.idx.msk [tilespmem:v5+s11+$0x0], $0xffff  }
0x21: {  	v5 =	vld.idx.msk [tilespmem:v6+s10+$0x0], $0xffff;
	v6 =	vor.u32 $0x280, v1  }
0x22: {  	v8 =	vld.idx.msk [tilespmem:v8+s10+$0x0], $0xffff;
	_ =	sdelay $0x1  }
0x23: {  	v57 =	vld.idx.msk [tilespmem:v3+s11+$0x0], $0xffff  }
0x24: {  	v2 =	vld.idx.msk [tilespmem:v2+s10+$0x0], $0xffff  }
0x25: {  	v3 =	vor.u32 $0x300, v1;
	v6 =	vld.idx.msk [tilespmem:v6+s10+$0x0], $0xffff  }
0x26: {  	v55 =	vld.idx.msk [tilespmem:v7+s3+$0x0], $0xffff;
	v7 =	vor.u32 $0x380, v1  }
0x27: {  	v56 =	vld.idx.msk [tilespmem:v4+s3+$0x0], $0xffff  }
0x28: {  	v4 =	vor.u32 $0x1000, v1;
	v54 =	vld.idx.msk [tilespmem:v5+s3+$0x0], $0xffff  }
0x29: {  	v5 =	vor.u32 $0x1080, v1;
	v52 =	vld.idx.msk [tilespmem:v8+s3+$0x0], $0xffff  }
0x2a: {  	v3 =	vld.idx.msk [tilespmem:v3+s10+$0x0], $0xffff  }
0x2b: {  	v8 =	vor.u32 $0x1180, v1;
	v7 =	vld.idx.msk [tilespmem:v7+s10+$0x0], $0xffff  }
0x2c: {  	v53 =	vld.idx.msk [tilespmem:v2+s3+$0x0], $0xffff;
	v2 =	vor.u32 $0x1100, v1  }
0x2d: {  	v4 =	vld.idx.msk [tilespmem:v4+s10+$0x0], $0xffff  }
0x2e: {  	v5 =	vld.idx.msk [tilespmem:v5+s10+$0x0], $0xffff  }
0x2f: {  	v51 =	vld.idx.msk [tilespmem:v6+s3+$0x0], $0xffff;
	v6 =	vor.u32 $0x1200, v1  }
0x30: {  	v8 =	vld.idx.msk [tilespmem:v8+s10+$0x0], $0xffff  }
0x31: {  	v2 =	vld.idx.msk [tilespmem:v2+s10+$0x0], $0xffff  }
0x32: {  	v50 =	vld.idx.msk [tilespmem:v3+s3+$0x0], $0xffff;
	v3 =	vor.u32 $0x1280, v1  }
0x33: {  	v49 =	vld.idx.msk [tilespmem:v7+s3+$0x0], $0xffff;
	v7 =	vor.u32 $0x1300, v1  }
0x34: {  	v6 =	vld.idx.msk [tilespmem:v6+s10+$0x0], $0xffff  }
0x35: {  	v48 =	vld.idx.msk [tilespmem:v4+s3+$0x0], $0xffff  }
0x36: {  	v4 =	vor.u32 $0x1380, v1;
	v47 =	vld.idx.msk [tilespmem:v5+s3+$0x0], $0xffff  }
0x37: {  	v5 =	vor.u32 $0x2000, v1;
	v3 =	vld.idx.msk [tilespmem:v3+s10+$0x0], $0xffff  }
0x38: {  	v7 =	vld.idx.msk [tilespmem:v7+s10+$0x0], $0xffff  }
0x39: {  	v46 =	vld.idx.msk [tilespmem:v2+s3+$0x0], $0xffff;
	v2 =	vor.u32 $0x2080, v1  }
0x3a: {  	v45 =	vld.idx.msk [tilespmem:v8+s3+$0x0], $0xffff;
	v8 =	vor.u32 $0x2100, v1  }
0x3b: {  	v4 =	vld.idx.msk [tilespmem:v4+s10+$0x0], $0xffff  }
0x3c: {  	v5 =	vld.idx.msk [tilespmem:v5+s10+$0x0], $0xffff  }
0x3d: {  	v44 =	vld.idx.msk [tilespmem:v6+s3+$0x0], $0xffff;
	v6 =	vor.u32 $0x2180, v1  }
0x3e: {  	v2 =	vld.idx.msk [tilespmem:v2+s10+$0x0], $0xffff  }
0x3f: {  	v8 =	vld.idx.msk [tilespmem:v8+s10+$0x0], $0xffff  }
0x40: {  	v41 =	vld.idx.msk [tilespmem:v7+s3+$0x0], $0xffff;
	v7 =	vor.u32 $0x2280, v1  }
0x41: {  	v42 =	vld.idx.msk [tilespmem:v3+s3+$0x0], $0xffff  }
0x42: {  	v6 =	vld.idx.msk [tilespmem:v6+s10+$0x0], $0xffff  }
0x43: {  	v3 =	vor.u32 $0x2200, v1;
	v39 =	vld.idx.msk [tilespmem:v4+s3+$0x0], $0xffff  }
0x44: {  	v37 =	vld.idx.msk [tilespmem:v5+s3+$0x0], $0xffff  }
0x45: {  	v4 =	vor.u32 $0x2300, v1;
	v7 =	vld.idx.msk [tilespmem:v7+s10+$0x0], $0xffff  }
0x46: {  	v5 =	vor.u32 $0x2380, v1;
	v32 =	vld.idx.msk [tilespmem:v2+s3+$0x0], $0xffff;
	v2 =	vor.u32 $0x3000, v1;
	v1 =	vor.u32 $0x3080, v1  }
0x47: {  	s29 =	simm.s32 $0x10  }
0x48: {  	v9 =	vmov s29;
	v3 =	vld.idx.msk [tilespmem:v3+s10+$0x0], $0xffff  }
0x49: {  	v10 =	vor.u32 s29, v0;
	v9 =	vshrl.u32 v9, $0x7;
	v33 =	vld.idx.msk [tilespmem:v8+s3+$0x0], $0xffff  }
0x4a: {  	v8 =	vand.u32 $0x7F, v10;
	v10 =	vshll.u32 v9, $0x9;
	v4 =	vld.idx.msk [tilespmem:v4+s10+$0x0], $0xffff  }
0x4b: {  	v10 =	vor.u32 v8, v10;
	v1 =	vld.idx.msk [tilespmem:v1+s10+$0x0], $0xffff  }
0x4c: {  	v31 =	vld.idx.msk [tilespmem:v6+s3+$0x0], $0xffff;
	v6 =	vor.u32 $0x80, v10  }
0x4d: {  	v5 =	vld.idx.msk [tilespmem:v5+s10+$0x0], $0xffff  }
0x4e: {  	v27 =	vld.idx.msk [tilespmem:v7+s3+$0x0], $0xffff;
	v7 =	vshll.u32 v9, $0xA  }
0x4f: {  	v2 =	vld.idx.msk [tilespmem:v2+s10+$0x0], $0xffff;
	v7 =	vor.u32 v8, v7  }
0x50: {  	v29 =	vld.idx.msk [tilespmem:v3+s3+$0x0], $0xffff  }
0x51: {  	v3 =	vor.u32 $0x100, v10;
	v40 =	vld.idx.msk [tilespmem:v6+s11+$0x0], $0xffff  }
0x52: {  	v25 =	vld.idx.msk [tilespmem:v4+s3+$0x0], $0xffff  }
0x53: {  	v1 =	vld.idx.msk [tilespmem:v1+s3+$0x0], $0xffff  }
0x54: {  	v4 =	vor.u32 $0x180, v10;
	v6 =	vld.idx.msk [tilespmem:v7+s10+$0x0], $0xffff  }
0x55: {  	v23 =	vld.idx.msk [tilespmem:v5+s3+$0x0], $0xffff;
	v5 =	vor.u32 $0x80, v7  }
0x56: {  	v36 =	vld.idx.msk [tilespmem:v3+s11+$0x0], $0xffff;
	v3 =	vor.u32 $0x100, v7  }
0x57: {  	v43 =	vld.idx.msk [tilespmem:v10+s11+$0x0], $0xffff  }
0x58: {  	v9 =	vor.u32 $0x380, v7;
	v22 =	vld.idx.msk [tilespmem:v2+s3+$0x0], $0xffff;
	[tilespmem:$0x1FEE0] =	vst v1  }
0x59: {  	v2 =	vor.u32 $0x180, v7;
	v38 =	vld.idx.msk [tilespmem:v4+s11+$0x0], $0xffff  }
0x5a: {  	v8 =	vor.u32 $0x200, v7;
	v4 =	vld.idx.msk [tilespmem:v5+s10+$0x0], $0xffff  }
0x5b: {  	v1 =	vor.u32 $0x280, v7;
	v3 =	vld.idx.msk [tilespmem:v3+s10+$0x0], $0xffff  }
0x5c: {  	v5 =	vor.u32 $0x300, v7;
	v35 =	vld.idx.msk [tilespmem:v6+s3+$0x0], $0xffff  }
0x5d: {  	v6 =	vld.idx.msk [tilespmem:v9+s10+$0x0], $0xffff  }
0x5e: {  	v2 =	vld.idx.msk [tilespmem:v2+s10+$0x0], $0xffff;
	v9 =	vor.u32 $0x1000, v7  }
0x5f: {  	v8 =	vld.idx.msk [tilespmem:v8+s10+$0x0], $0xffff  }
0x60: {  	v1 =	vld.idx.msk [tilespmem:v1+s10+$0x0], $0xffff  }
0x61: {  	v5 =	vld.idx.msk [tilespmem:v5+s10+$0x0], $0xffff  }
0x62: {  	v34 =	vld.idx.msk [tilespmem:v4+s3+$0x0], $0xffff  }
0x63: {  	v4 =	vld.idx.msk [tilespmem:v9+s10+$0x0], $0xffff  }
0x64: {  	v30 =	vld.idx.msk [tilespmem:v3+s3+$0x0], $0xffff;
	v3 =	vor.u32 $0x1080, v7  }
0x65: {  	v6 =	vld.idx.msk [tilespmem:v6+s3+$0x0], $0xffff  }
0x66: {  	v28 =	vld.idx.msk [tilespmem:v2+s3+$0x0], $0xffff  }
0x67: {  	v26 =	vld.idx.msk [tilespmem:v8+s3+$0x0], $0xffff  }
0x68: {  	v2 =	vor.u32 $0x1100, v7;
	v24 =	vld.idx.msk [tilespmem:v1+s3+$0x0], $0xffff  }
0x69: {  	v1 =	vor.u32 $0x1180, v7;
	v3 =	vld.idx.msk [tilespmem:v3+s10+$0x0], $0xffff  }
0x6a: {  	v8 =	vor.u32 $0x1200, v7;
	v21 =	vld.idx.msk [tilespmem:v5+s3+$0x0], $0xffff;
	[tilespmem:$0x1FEF0] =	vst v6  }
0x6b: {  	v5 =	vor.u32 $0x1280, v7;
	v4 =	vld.idx.msk [tilespmem:v4+s3+$0x0], $0xffff;
	_ =	sdelay $0x1  }
0x6c: {  	v2 =	vld.idx.msk [tilespmem:v2+s10+$0x0], $0xffff  }
0x6d: {  	v1 =	vld.idx.msk [tilespmem:v1+s10+$0x0], $0xffff  }
0x6e: {  	v8 =	vld.idx.msk [tilespmem:v8+s10+$0x0], $0xffff  }
0x6f: {  	v5 =	vld.idx.msk [tilespmem:v5+s10+$0x0], $0xffff;
	[tilespmem:$0x1FF00] =	vst v4  }
0x70: {  	v6 =	vor.u32 $0x1300, v7;
	v3 =	vld.idx.msk [tilespmem:v3+s3+$0x0], $0xffff;
	_ =	sdelay $0x4  }
0x71: {  	v4 =	vld.idx.msk [tilespmem:v6+s10+$0x0], $0xffff;
	[tilespmem:$0x1FF10] =	vst v3  }
0x72: {  	v9 =	vor.u32 $0x1380, v7;
	v2 =	vld.idx.msk [tilespmem:v2+s3+$0x0], $0xffff;
	_ =	sdelay $0x4  }
0x73: {  	v6 =	vld.idx.msk [tilespmem:v9+s10+$0x0], $0xffff;
	[tilespmem:$0x1FF20] =	vst v2  }
0x74: {  	v1 =	vld.idx.msk [tilespmem:v1+s3+$0x0], $0xffff;
	_ =	sdelay $0x4  }
0x75: {  	[tilespmem:$0x1FF30] =	vst v1  }
0x76: {  	v1 =	vld.idx.msk [tilespmem:v8+s3+$0x0], $0xffff;
	_ =	sdelay $0x4  }
0x77: {  	[tilespmem:$0x1FF40] =	vst v1  }
0x78: {  	v5 =	vld.idx.msk [tilespmem:v5+s3+$0x0], $0xffff;
	_ =	sdelay $0x4  }
0x79: {  	v3 =	vor.u32 $0x2000, v7;
	[tilespmem:$0x1FF50] =	vst v5  }
0x7a: {  	v4 =	vld.idx.msk [tilespmem:v4+s3+$0x0], $0xffff;
	_ =	sdelay $0x3  }
0x7b: {  	v3 =	vld.idx.msk [tilespmem:v3+s10+$0x0], $0xffff  }
0x7c: {  	v2 =	vor.u32 $0x2080, v7;
	[tilespmem:$0x1FF60] =	vst v4  }
0x7d: {  	v6 =	vld.idx.msk [tilespmem:v6+s3+$0x0], $0xffff;
	_ =	sdelay $0x2  }
0x7e: {  	v1 =	vor.u32 $0x2100, v7  }
0x7f: {  	v5 =	vor.u32 $0x2180, v7;
	v2 =	vld.idx.msk [tilespmem:v2+s10+$0x0], $0xffff  }
0x80: {  	v8 =	vor.u32 $0x2200, v7;
	[tilespmem:$0x1FF70] =	vst v6  }
0x81: {  	v4 =	vor.u32 $0x2280, v7;
	v3 =	vld.idx.msk [tilespmem:v3+s3+$0x0], $0xffff;
	_ =	sdelay $0x1  }
0x82: {  	v1 =	vld.idx.msk [tilespmem:v1+s10+$0x0], $0xffff  }
0x83: {  	v5 =	vld.idx.msk [tilespmem:v5+s10+$0x0], $0xffff  }
0x84: {  	v62 =	vld.idx.msk [tilespmem:v8+s10+$0x0], $0xffff  }
0x85: {  	v4 =	vld.idx.msk [tilespmem:v4+s10+$0x0], $0xffff;
	[tilespmem:$0x1FF80] =	vst v3  }
0x86: {  	v6 =	vor.u32 $0x2300, v7;
	v2 =	vld.idx.msk [tilespmem:v2+s3+$0x0], $0xffff;
	_ =	sdelay $0x4  }
0x87: {  	v6 =	vld.idx.msk [tilespmem:v6+s10+$0x0], $0xffff;
	[tilespmem:$0x1FF90] =	vst v2  }
0x88: {  	v61 =	vor.u32 $0x2380, v7;
	v1 =	vld.idx.msk [tilespmem:v1+s3+$0x0], $0xffff;
	_ =	sdelay $0x4  }
0x89: {  	v61 =	vld.idx.msk [tilespmem:v61+s10+$0x0], $0xffff;
	[tilespmem:$0x1FFA0] =	vst v1  }
0x8a: {  	v2 =	vld.idx.msk [tilespmem:v5+s3+$0x0], $0xffff;
	_ =	sdelay $0x3  }
0x8b: {  	s30 =	simm.s32 $0x20  }
0x8c: {  	v1 =	vmov s30;
	[tilespmem:$0x1FFB0] =	vst v2  }
0x8d: {  	v2 =	vshrl.u32 v1, $0x7;
	v1 =	vld.idx.msk [tilespmem:v62+s3+$0x0], $0xffff;
	_ =	sdelay $0x4  }
0x8e: {  	[tilespmem:$0x1FFC0] =	vst v1  }
0x8f: {  	v4 =	vld.idx.msk [tilespmem:v4+s3+$0x0], $0xffff  }
0x90: {  	v3 =	vor.u32 $0x3000, v7;
	_ =	sdelay $0x2  }
0x91: {  	v5 =	vor.u32 s30, v0  }
0x92: {  	v19 =	vand.u32 $0x6F, v5;
	v1 =	vshll.u32 v2, $0x9;
	[tilespmem:$0x1FFD0] =	vst v4  }
0x93: {  	v4 =	vor.u32 v19, v1;
	v1 =	vld.idx.msk [tilespmem:v3+s10+$0x0], $0xffff  }
0x94: {  	v3 =	vld.idx.msk [tilespmem:v6+s3+$0x0], $0xffff;
	_ =	sdelay $0x4  }
0x95: {  	v63 =	vor.u32 $0x3080, v7;
	[tilespmem:$0x1FFE0] =	vst v3  }
0x96: {  	v7 =	vld.idx.msk [tilespmem:v61+s3+$0x0], $0xffff  }
0x97: {  	v2 =	vshll.u32 v2, $0xA  }
0x98: {  	v5 =	vor.u32 $0x80, v4;
	v3 =	vor.u32 v19, v2  }
0x99: {  	v62 =	vor.u32 $0x80, v3  }
0x9a: {  	v2 =	vld.idx.msk [tilespmem:v63+s10+$0x0], $0xffff;
	v63 =	vor.u32 $0x100, v3  }
0x9b: {  	[tilespmem:$0x1FFF0] =	vst v7  }
0x9c: {  	v12 =	vld.idx.msk [tilespmem:v4+s11+$0x0], $0xffff  }
0x9d: {  	v13 =	vld.idx.msk [tilespmem:v5+s11+$0x0], $0xffff  }
0x9e: {  	v10 =	vld.idx.msk [tilespmem:v62+s10+$0x0], $0xffff  }
0x9f: {  	v20 =	vor.u32 $0x180, v4;
	v11 =	vld.idx.msk [tilespmem:v63+s10+$0x0], $0xffff  }
0xa0: {  	v7 =	vld.idx.msk [tilespmem:v3+s10+$0x0], $0xffff  }
0xa1: {  	v15 =	vor.u32 $0x180, v3;
	v19 =	vld [tilespmem:$0x700]  }
0xa2: {  	v62 =	vld [tilespmem:$0x740]  }
0xa3: {  	v6 =	vor.u32 $0x100, v4;
	v63 =	vld [tilespmem:$0x710]  }
0xa4: {  	v18 =	vld.idx.msk [tilespmem:v20+s11+$0x0], $0xffff;
	v4 =	vor.u32 $0x200, v3  }
0xa5: {  	v61 =	vld [tilespmem:$0x720]  }
0xa6: {  	v9 =	vld.idx.msk [tilespmem:v15+s10+$0x0], $0xffff;
	v5 =	vor.u32 $0x280, v3;
	v60 =	vmul.f32 v19, v60  }
0xa7: {  	v20 =	vld [tilespmem:$0x730]  }
0xa8: {  	v17 =	vld.idx.msk [tilespmem:v6+s11+$0x0], $0xffff;
	v6 =	vor.u32 $0x300, v3;
	v59 =	vmul.f32 v63, v59;
	v60 =	vadd.f32 v60, v62  }
0xa9: {  	v8 =	vld.idx.msk [tilespmem:v4+s10+$0x0], $0xffff  }
0xaa: {  	v58 =	vmul.f32 v61, v58;
	v14 =	vld.idx.msk [tilespmem:v7+s3+$0x0], $0xffff;
	v59 =	vadd.f32 v59, v60  }
0xab: {  	v7 =	vld.idx.msk [tilespmem:v5+s10+$0x0], $0xffff;
	v60 =	vor.u32 $0x1000, v3  }
0xac: {  	v57 =	vmul.f32 v20, v57;
	v15 =	vld.idx.msk [tilespmem:v10+s3+$0x0], $0xffff;
	v58 =	vadd.f32 v58, v59  }
0xad: {  	v10 =	vld.idx.msk [tilespmem:v6+s10+$0x0], $0xffff  }
0xae: {  	v16 =	vld.idx.msk [tilespmem:v11+s3+$0x0], $0xffff;
	v57 =	vadd.f32 v57, v58  }
0xaf: {  	v4 =	vor.u32 $0x380, v3;
	v9 =	vld.idx.msk [tilespmem:v9+s3+$0x0], $0xffff  }
0xb0: {  	v58 =	vld.idx.msk [tilespmem:v60+s10+$0x0], $0xffff;
	v55 =	vadd.f32 v55, v57  }
0xb1: {  	v5 =	vor.u32 $0x1180, v3;
	v57 =	vld [tilespmem:$0x700]  }
0xb2: {  	v60 =	vadd.f32 v56, v55;
	v55 =	vld [tilespmem:$0x740]  }
0xb3: {  	v56 =	vld [tilespmem:$0x710]  }
0xb4: {  	v6 =	vor.u32 $0x1200, v3;
	v11 =	vld.idx.msk [tilespmem:v4+s10+$0x0], $0xffff;
	v60 =	vadd.f32 v54, v60  }
0xb5: {  	v4 =	vor.u32 $0x1100, v3;
	v54 =	vld [tilespmem:$0x720]  }
0xb6: {  	v59 =	vor.u32 $0x1080, v3;
	v5 =	vld.idx.msk [tilespmem:v5+s10+$0x0], $0xffff;
	v12 =	vmul.f32 v57, v12;
	v60 =	vadd.f32 v53, v60  }
0xb7: {  	v53 =	vld [tilespmem:$0x730]  }
0xb8: {  	v8 =	vld.idx.msk [tilespmem:v8+s3+$0x0], $0xffff;
	v12 =	vadd.f32 v12, v55;
	v13 =	vmul.f32 v56, v13;
	v52 =	vadd.f32 v52, v60  }
0xb9: {  	v6 =	vld.idx.msk [tilespmem:v6+s10+$0x0], $0xffff  }
0xba: {  	v4 =	vld.idx.msk [tilespmem:v4+s10+$0x0], $0xffff;
	v12 =	vadd.f32 v13, v12;
	v51 =	vadd.f32 v51, v52;
	v52 =	vmul.f32 v54, v17  }
0xbb: {  	v59 =	vld.idx.msk [tilespmem:v59+s10+$0x0], $0xffff  }
0xbc: {  	v7 =	vld.idx.msk [tilespmem:v7+s3+$0x0], $0xffff;
	v60 =	vor.u32 $0x1280, v3;
	v13 =	vmul.f32 v53, v18;
	v12 =	vadd.f32 v52, v12  }
0xbd: {  	v10 =	vld.idx.msk [tilespmem:v10+s3+$0x0], $0xffff  }
0xbe: {  	v11 =	vld.idx.msk [tilespmem:v11+s3+$0x0], $0xffff;
	v12 =	vadd.f32 v13, v12  }
0xbf: {  	v5 =	vld.idx.msk [tilespmem:v5+s3+$0x0], $0xffff;
	v17 =	vor.u32 $0x1300, v3;
	v50 =	vadd.f32 v50, v51  }
0xc0: {  	v18 =	vld.idx.msk [tilespmem:v58+s3+$0x0], $0xffff;
	v58 =	vor.u32 $0x2000, v3;
	v12 =	vadd.f32 v14, v12  }
0xc1: {  	v49 =	vadd.f32 v49, v50;
	v13 =	vld.idx.msk [tilespmem:v60+s10+$0x0], $0xffff  }
0xc2: {  	v6 =	vld.idx.msk [tilespmem:v6+s3+$0x0], $0xffff;
	v51 =	vor.u32 $0x1380, v3;
	v12 =	vadd.f32 v15, v12  }
0xc3: {  	v50 =	vld.idx.msk [tilespmem:v59+s3+$0x0], $0xffff;
	v59 =	vor.u32 $0x2080, v3;
	v48 =	vadd.f32 v48, v49  }
0xc4: {  	v14 =	vld.idx.msk [tilespmem:v17+s10+$0x0], $0xffff;
	v12 =	vadd.f32 v16, v12  }
0xc5: {  	v49 =	vld.idx.msk [tilespmem:v58+s10+$0x0], $0xffff;
	v47 =	vadd.f32 v47, v48;
	v48 =	vor.u32 $0x2380, v3  }
0xc6: {  	v4 =	vld.idx.msk [tilespmem:v4+s3+$0x0], $0xffff;
	v60 =	vor.u32 $0x2100, v3;
	v9 =	vadd.f32 v9, v12  }
0xc7: {  	v15 =	vld.idx.msk [tilespmem:v51+s10+$0x0], $0xffff  }
0xc8: {  	v52 =	vld.idx.msk [tilespmem:v59+s10+$0x0], $0xffff;
	v8 =	vadd.f32 v8, v9  }
0xc9: {  	v51 =	vor.u32 $0x2180, v3;
	v13 =	vld.idx.msk [tilespmem:v13+s3+$0x0], $0xffff  }
0xca: {  	v17 =	vld.idx.msk [tilespmem:v48+s10+$0x0], $0xffff;
	v7 =	vadd.f32 v7, v8  }
0xcb: {  	v46 =	vadd.f32 v46, v47;
	v9 =	vld.idx.msk [tilespmem:v60+s10+$0x0], $0xffff  }
0xcc: {  	v58 =	vor.u32 $0x2200, v3;
	v14 =	vld.idx.msk [tilespmem:v14+s3+$0x0], $0xffff;
	v7 =	vadd.f32 v10, v7  }
0xcd: {  	v59 =	vor.u32 $0x2280, v3;
	v45 =	vadd.f32 v45, v46;
	v60 =	vor.u32 $0x2300, v3;
	v16 =	vld.idx.msk [tilespmem:v49+s3+$0x0], $0xffff  }
0xce: {  	v49 =	vor.u32 $0x3000, v3;
	v3 =	vor.u32 $0x3080, v3;
	v8 =	vld.idx.msk [tilespmem:v51+s10+$0x0], $0xffff;
	v7 =	vadd.f32 v11, v7  }
0xcf: {  	v44 =	vadd.f32 v44, v45;
	v15 =	vld.idx.msk [tilespmem:v15+s3+$0x0], $0xffff  }
0xd0: {  	v12 =	vld.idx.msk [tilespmem:v52+s3+$0x0], $0xffff;
	v7 =	vadd.f32 v18, v7  }
0xd1: {  	v42 =	vadd.f32 v42, v44;
	v10 =	vld.idx.msk [tilespmem:v58+s10+$0x0], $0xffff  }
0xd2: {  	v51 =	vld.idx.msk [tilespmem:v60+s10+$0x0], $0xffff;
	v7 =	vadd.f32 v50, v7  }
0xd3: {  	v41 =	vadd.f32 v41, v42;
	v3 =	vld.idx.msk [tilespmem:v3+s10+$0x0], $0xffff  }
0xd4: {  	v11 =	vld.idx.msk [tilespmem:v59+s10+$0x0], $0xffff;
	v4 =	vadd.f32 v4, v7  }
0xd5: {  	s31 =	simm.s32 $0x30;
	v39 =	vadd.f32 v39, v41;
	v17 =	vld.idx.msk [tilespmem:v17+s3+$0x0], $0xffff  }
0xd6: {  	v52 =	vmov s31;
	v9 =	vld.idx.msk [tilespmem:v9+s3+$0x0], $0xffff;
	v4 =	vadd.f32 v5, v4  }
0xd7: {  	v58 =	vor.u32 s31, v0;
	v37 =	vadd.f32 v37, v39;
	v39 =	vshrl.u32 v52, $0x7;
	v8 =	vld.idx.msk [tilespmem:v8+s3+$0x0], $0xffff  }
0xd8: {  	v42 =	vand.u32 $0x7F, v58;
	v59 =	vshll.u32 v39, $0x9;
	v7 =	vld.idx.msk [tilespmem:v49+s10+$0x0], $0xffff;
	v4 =	vadd.f32 v6, v4  }
0xd9: {  	v19 =	vmul.f32 v43, v19;
	v44 =	vor.u32 v42, v59;
	v32 =	vadd.f32 v32, v37;
	v10 =	vld.idx.msk [tilespmem:v10+s3+$0x0], $0xffff  }
0xda: {  	v60 =	vor.u32 $0x80, v44;
	v45 =	vor.u32 $0x180, v44;
	v18 =	vld.idx.msk [tilespmem:v51+s3+$0x0], $0xffff;
	v4 =	vadd.f32 v13, v4  }
0xdb: {  	v32 =	vadd.f32 v33, v32;
	v3 =	vld.idx.msk [tilespmem:v3+s3+$0x0], $0xffff;
	v5 =	vadd.f32 v19, v62;
	v62 =	vmul.f32 v40, v63  }
0xdc: {  	v11 =	vld.idx.msk [tilespmem:v11+s3+$0x0], $0xffff;
	v63 =	vor.u32 $0x100, v44;
	v40 =	vshll.u32 v39, $0xA;
	v4 =	vadd.f32 v14, v4  }
0xdd: {  	v32 =	vadd.f32 v31, v32;
	v31 =	vor.u32 v42, v40;
	v40 =	vld [tilespmem:$0x1FF00]  }
0xde: {  	v41 =	vmul.f32 v36, v61;
	v6 =	vld.idx.msk [tilespmem:v44+s11+$0x0], $0xffff;
	v5 =	vadd.f32 v62, v5;
	v4 =	vadd.f32 v15, v4  }
0xdf: {  	v29 =	vadd.f32 v29, v32;
	v42 =	vld.idx.msk [tilespmem:v60+s11+$0x0], $0xffff;
	v51 =	vor.u32 $0x200, v31  }
0xe0: {  	v43 =	vmul.f32 v38, v20;
	v20 =	vld.idx.msk [tilespmem:v45+s11+$0x0], $0xffff;
	v5 =	vadd.f32 v41, v5;
	v4 =	vadd.f32 v16, v4  }
0xe1: {  	v27 =	vadd.f32 v27, v29;
	v47 =	vld.idx.msk [tilespmem:v63+s11+$0x0], $0xffff  }
0xe2: {  	v46 =	vor.u32 $0x80, v31;
	v63 =	vld [tilespmem:$0x1FEE0];
	v5 =	vadd.f32 v43, v5;
	v4 =	vadd.f32 v12, v4  }
0xe3: {  	v48 =	vor.u32 $0x100, v31;
	v50 =	vld.idx.msk [tilespmem:v31+s10+$0x0], $0xffff;
	v25 =	vadd.f32 v25, v27;
	v6 =	vmul.f32 v6, v57  }
0xe4: {  	v49 =	vor.u32 $0x180, v31;
	v5 =	vadd.f32 v35, v5;
	v4 =	vadd.f32 v9, v4;
	v9 =	vld.idx.msk [tilespmem:v51+s10+$0x0], $0xffff  }
0xe5: {  	v52 =	vor.u32 $0x280, v31;
	v7 =	vld.idx.msk [tilespmem:v7+s3+$0x0], $0xffff;
	v23 =	vadd.f32 v23, v25;
	v6 =	vadd.f32 v6, v55  }
0xe6: {  	v43 =	vld [tilespmem:$0x1FF10];
	v5 =	vadd.f32 v34, v5;
	v4 =	vadd.f32 v8, v4;
	v8 =	vmul.f32 v42, v56  }
0xe7: {  	v14 =	vld.idx.msk [tilespmem:v46+s10+$0x0], $0xffff;
	v60 =	vadd.f32 v22, v23  }
0xe8: {  	v59 =	vld.idx.msk [tilespmem:v48+s10+$0x0], $0xffff;
	v5 =	vadd.f32 v30, v5;
	v6 =	vadd.f32 v8, v6;
	v8 =	vmul.f32 v47, v54  }
0xe9: {  	v58 =	vor.u32 $0x300, v31;
	v62 =	vld.idx.msk [tilespmem:v49+s10+$0x0], $0xffff;
	v19 =	vadd.f32 v63, v60  }
0xea: {  	v16 =	vld.idx.msk [tilespmem:v52+s10+$0x0], $0xffff;
	v5 =	vadd.f32 v28, v5;
	v6 =	vadd.f32 v8, v6;
	v8 =	vmul.f32 v20, v53  }
0xeb: {  	v35 =	vor.u32 $0x1000, v31;
	v30 =	vld.idx.msk [tilespmem:v50+s3+$0x0], $0xffff;
	v33 =	vsub.f32 $0.0e+00, v19;
	v4 =	vadd.f32 v10, v4  }
0xec: {  	v5 =	vadd.f32 v26, v5;
	v6 =	vadd.f32 v8, v6;
	v8 =	vld.idx.msk [tilespmem:v9+s3+$0x0], $0xffff  }
0xed: {  	v61 =	vor.u32 $0x380, v31;
	v15 =	vmul.f32 $1.442695020e+00, v33;
	v4 =	vadd.f32 v11, v4;
	v9 =	vld [tilespmem:$0x1FEF0]  }
0xee: {  	v34 =	vld.idx.msk [tilespmem:v58+s10+$0x0], $0xffff;
	v5 =	vadd.f32 v24, v5  }
0xef: {  	v36 =	vor.u32 $0x1080, v31;
	v14 =	vld.idx.msk [tilespmem:v14+s3+$0x0], $0xffff;
	(erf) = vpow2.f32 v15;
	v4 =	vadd.f32 v18, v4  }
0xf0: {  	v39 =	vld.idx.msk [tilespmem:v35+s10+$0x0], $0xffff;
	v5 =	vadd.f32 v21, v5  }
0xf1: {  	v11 =	vld.idx.msk [tilespmem:v59+s3+$0x0], $0xffff;
	v4 =	vadd.f32 v17, v4  }
0xf2: {  	v10 =	vld.idx.msk [tilespmem:v61+s10+$0x0], $0xffff;
	v6 =	vadd.f32 v30, v6;
	v5 =	vadd.f32 v9, v5;
	v9 =	vor.u32 $0x1100, v31  }
0xf3: {  	v37 =	vld.idx.msk [tilespmem:v62+s3+$0x0], $0xffff  }
0xf4: {  	v4 =	vadd.f32 v7, v4;
	v6 =	vadd.f32 v14, v6;
	v7 =	vld.idx.msk [tilespmem:v36+s10+$0x0], $0xffff  }
0xf5: {  	v16 =	vld.idx.msk [tilespmem:v16+s3+$0x0], $0xffff  }
0xf6: {  	v19 =	vld.idx.msk [tilespmem:v34+s3+$0x0], $0xffff;
	v3 =	vadd.f32 v3, v4;
	v4 =	vadd.f32 v11, v6  }
0xf7: {  	v6 =	vld.idx.msk [tilespmem:v9+s10+$0x0], $0xffff  }
0xf8: {  	v38 =	vor.u32 $0x1180, v31;
	v11 =	vpop (erf);
	v3 =	vsub.f32 $0.0e+00, v3;
	v4 =	vadd.f32 v37, v4;
	v9 =	vld [tilespmem:$0x1FF20]  }
0xf9: {  	v47 =	vld [tilespmem:$0x1FF30];
	v5 =	vadd.f32 v40, v5;
	v11 =	vadd.f32 $1.000000000e+00, v11  }
0xfa: {  	v10 =	vld.idx.msk [tilespmem:v10+s3+$0x0], $0xffff;
	v3 =	vmul.f32 $1.442695020e+00, v3;
	v4 =	vadd.f32 v8, v4  }
0xfb: {  	v5 =	vadd.f32 v43, v5;
	(erf) = vrcp.f32 v11;
	v11 =	vld [tilespmem:$0x1FF40]  }
0xfc: {  	v45 =	vor.u32 $0x1380, v31;
	(erf) = vpow2.f32 v3;
	v3 =	vadd.f32 v16, v4;
	v4 =	vld.idx.msk [tilespmem:v7+s3+$0x0], $0xffff  }
0xfd: {  	v5 =	vadd.f32 v9, v5;
	v9 =	vld.idx.msk [tilespmem:v38+s10+$0x0], $0xffff  }
0xfe: {  	v7 =	vld [tilespmem:$0x1FF50]  }
0xff: {  	v8 =	vld.idx.msk [tilespmem:v39+s3+$0x0], $0xffff;
	v5 =	vadd.f32 v47, v5  }
0x100: {  	v50 =	vld [tilespmem:$0x1FF60];
	v3 =	vadd.f32 v19, v3  }
0x101: {  	v49 =	vld.idx.msk [tilespmem:v45+s10+$0x0], $0xffff;
	v5 =	vadd.f32 v11, v5  }
0x102: {  	v41 =	vor.u32 $0x1200, v31;
	v52 =	vld [tilespmem:$0x1FF70];
	v3 =	vadd.f32 v10, v3  }
0x103: {  	v6 =	vld.idx.msk [tilespmem:v6+s3+$0x0], $0xffff;
	v5 =	vadd.f32 v7, v5  }
0x104: {  	v3 =	vadd.f32 v8, v3;
	v8 =	vld [tilespmem:$0x1FF80]  }
0x105: {  	v5 =	vadd.f32 v50, v5;
	v9 =	vld.idx.msk [tilespmem:v9+s3+$0x0], $0xffff  }
0x106: {  	v58 =	vld [tilespmem:$0x1FF90];
	v42 =	vor.u32 $0x1280, v31;
	v3 =	vadd.f32 v4, v3  }
0x107: {  	v46 =	vld.idx.msk [tilespmem:v41+s10+$0x0], $0xffff;
	v51 =	vor.u32 $0x2080, v31;
	v5 =	vadd.f32 v52, v5  }
0x108: {  	v57 =	vor.u32 $0x2280, v31;
	v61 =	vld [tilespmem:$0x1FFA0];
	v3 =	vadd.f32 v6, v3  }
0x109: {  	v44 =	vor.u32 $0x1300, v31;
	v12 =	vld.idx.msk [tilespmem:v49+s3+$0x0], $0xffff;
	v5 =	vadd.f32 v8, v5  }
0x10a: {  	v3 =	vadd.f32 v9, v3;
	v9 =	vld [tilespmem:$0x1FFB0]  }
0x10b: {  	v53 =	vor.u32 $0x2100, v31;
	v48 =	vld.idx.msk [tilespmem:v42+s10+$0x0], $0xffff;
	v5 =	vadd.f32 v58, v5  }
0x10c: {  	v4 =	vld.idx.msk [tilespmem:v51+s10+$0x0], $0xffff;
	v7 =	vor.u32 $0x2000, v31  }
0x10d: {  	v62 =	vld.idx.msk [tilespmem:v57+s10+$0x0], $0xffff;
	v5 =	vadd.f32 v61, v5  }
0x10e: {  	v11 =	vld.idx.msk [tilespmem:v44+s10+$0x0], $0xffff  }
0x10f: {  	v5 =	vadd.f32 v9, v5;
	v9 =	vld [tilespmem:$0x1FFC0]  }
0x110: {  	v14 =	vld.idx.msk [tilespmem:v53+s10+$0x0], $0xffff  }
0x111: {  	v7 =	vld.idx.msk [tilespmem:v7+s10+$0x0], $0xffff  }
0x112: {  	v55 =	vor.u32 $0x2180, v31;
	v10 =	vld.idx.msk [tilespmem:v46+s3+$0x0], $0xffff  }
0x113: {  	v54 =	vld.idx.msk [tilespmem:v48+s3+$0x0], $0xffff;
	v56 =	vpop (erf);
	v8 =	vor.u32 $0x2200, v31  }
0x114: {  	v59 =	vpop (erf);
	v5 =	vadd.f32 v9, v5;
	v9 =	vld.idx.msk [tilespmem:v4+s3+$0x0], $0xffff  }
0x115: {  	v13 =	vadd.f32 $1.000000000e+00, v59;
	v4 =	vld [tilespmem:$0x1FFD0]  }
0x116: {  	v60 =	vor.u32 $0x2300, v31;
	v11 =	vld.idx.msk [tilespmem:v11+s3+$0x0], $0xffff  }
0x117: {  	v16 =	vld.idx.msk [tilespmem:v55+s10+$0x0], $0xffff;
	v6 =	vor.u32 $0x2380, v31;
	(erf) = vrcp.f32 v13;
	v3 =	vadd.f32 v10, v3  }
0x118: {  	v8 =	vld.idx.msk [tilespmem:v8+s10+$0x0], $0xffff  }
0x119: {  	v3 =	vadd.f32 v54, v3;
	v10 =	vld.idx.msk [tilespmem:v7+s3+$0x0], $0xffff  }
0x11a: {  	v4 =	vadd.f32 v4, v5;
	v5 =	vld [tilespmem:$0x1FFE0]  }
0x11b: {  	s16 =	simm.s32 $0x4F90;
	v7 =	vld.idx.msk [tilespmem:v60+s10+$0x0], $0xffff;
	v3 =	vadd.f32 v11, v3  }
0x11c: {  	v6 =	vld.idx.msk [tilespmem:v6+s10+$0x0], $0xffff;
	[tilespmem:s16+$0xFFFFFFF0] =	vst v56  }
0x11d: {  	v63 =	vor.u32 $0x3000, v31;
	v11 =	vadd.f32 v12, v3;
	v3 =	vld [tilespmem:$0x1FFF0]  }
0x11e: {  	v40 =	vld.idx.msk [tilespmem:v62+s3+$0x0], $0xffff  }
0x11f: {  	v43 =	vld.idx.msk [tilespmem:v14+s3+$0x0], $0xffff;
	v5 =	vadd.f32 v5, v4;
	v4 =	vor.u32 $0x3080, v31  }
0x120: {  	s17 =	simm.s32 $0x4FB0;
	v41 =	vld.idx.msk [tilespmem:v8+s3+$0x0], $0xffff;
	v8 =	vpop (erf)  }
0x121: {  	v42 =	vld.idx.msk [tilespmem:v16+s3+$0x0], $0xffff;
	[tilespmem:s17+$0xFFFFFFF0] =	vst v8;
	v8 =	vadd.f32 v10, v11  }
0x122: {  	s18 =	simm.s32 $0x2;
	s19 =	simm.s32 $0x50;
	v3 =	vadd.f32 v3, v5;
	v5 =	vld.idx.msk [tilespmem:v63+s10+$0x0], $0xffff  }
.LBB2_2:
0x123: {  	s20 =	sadd.s32 $0xFFFFFFF0, s19;
	v10 =	vmov s19;
	v11 =	vor.u32 s19, v0;
	s18 =	sadd.s32 $0x2, s18;
	v44 =	vadd.f32 v9, v8;
	v45 =	vld.idx.msk [tilespmem:v7+s3+$0x0], $0xffff  }
0x124: {  	v7 =	vmov s20;
	v8 =	vshrl.u32 v10, $0x7;
	v9 =	vand.u32 $0x7F, v11;
	p0 =	slt.u32 s18, $0x1E;
	v4 =	vld.idx.msk [tilespmem:v4+s10+$0x0], $0xffff  }
0x125: {  	v10 =	vor.u32 s20, v0;
	v7 =	vshrl.u32 v7, $0x7;
	v11 =	vshll.u32 v8, $0x9;
	v46 =	vld.idx.msk [tilespmem:v6+s3+$0x0], $0xffff  }
0x126: {  	v6 =	vand.u32 $0x6F, v10;
	v10 =	vshll.u32 v7, $0x9;
	v33 =	vor.u32 v9, v11;
	v47 =	vld.idx.msk [tilespmem:v1+s3+$0x0], $0xffff  }
0x127: {  	v7 =	vshll.u32 v7, $0xA;
	v10 =	vor.u32 v6, v10;
	v34 =	vor.u32 $0x80, v33;
	v48 =	vld.idx.msk [tilespmem:v2+s3+$0x0], $0xffff;
	v1 =	vmovc v5  }
0x128: {  	v39 =	vor.u32 v6, v7;
	v35 =	vor.u32 $0x100, v33;
	v6 =	vshll.u32 v8, $0xA;
	v22 =	vld [tilespmem:$0x720]  }
0x129: {  	v27 =	vor.u32 $0x180, v33;
	v5 =	vor.u32 $0x80, v10;
	v36 =	vor.u32 v9, v6;
	v26 =	vld [tilespmem:$0x740];
	v2 =	vmovc v4  }
0x12a: {  	v4 =	vor.u32 $0x100, v10;
	v31 =	vor.u32 $0x80, v36;
	v28 =	vor.u32 $0x100, v36;
	v32 =	vld [tilespmem:$0x710]  }
0x12b: {  	v6 =	vor.u32 $0x80, v39;
	v30 =	vor.u32 $0x180, v36;
	v25 =	vor.u32 $0x200, v36;
	v37 =	vld [tilespmem:$0x700]  }
0x12c: {  	v7 =	vor.u32 $0x180, v10;
	v29 =	vor.u32 $0x280, v36;
	v23 =	vor.u32 $0x300, v36;
	v8 =	vld.idx.msk [tilespmem:v10+s11+$0x0], $0xffff  }
0x12d: {  	v9 =	vor.u32 $0x100, v39;
	v24 =	vor.u32 $0x380, v36;
	v21 =	vor.u32 $0x1000, v36;
	v49 =	vld.idx.msk [tilespmem:v39+s10+$0x0], $0xffff  }
0x12e: {  	v20 =	vor.u32 $0x1080, v36;
	v18 =	vor.u32 $0x1100, v36;
	v17 =	vor.u32 $0x1180, v36;
	v5 =	vld.idx.msk [tilespmem:v5+s11+$0x0], $0xffff  }
0x12f: {  	v50 =	vor.u32 $0x180, v39;
	v19 =	vor.u32 $0x1200, v36;
	v16 =	vor.u32 $0x1280, v36;
	v4 =	vld.idx.msk [tilespmem:v4+s11+$0x0], $0xffff  }
0x130: {  	v52 =	vor.u32 $0x200, v39;
	v15 =	vor.u32 $0x1300, v36;
	v14 =	vor.u32 $0x1380, v36;
	v51 =	vld.idx.msk [tilespmem:v6+s10+$0x0], $0xffff  }
0x131: {  	v13 =	vor.u32 $0x2000, v36;
	v12 =	vor.u32 $0x2080, v36;
	v53 =	vld.idx.msk [tilespmem:v7+s11+$0x0], $0xffff;
	v7 =	vor.u32 $0x2100, v36  }
0x132: {  	v55 =	vor.u32 $0x280, v39;
	v10 =	vor.u32 $0x2180, v36;
	v8 =	vmul.f32 v37, v8;
	v54 =	vld.idx.msk [tilespmem:v9+s10+$0x0], $0xffff  }
0x133: {  	v11 =	vor.u32 $0x2200, v36;
	v6 =	vor.u32 $0x2300, v36;
	v9 =	vor.u32 $0x2280, v36;
	v38 =	vld [tilespmem:$0x730]  }
0x134: {  	v58 =	vor.u32 $0x300, v39;
	v56 =	vadd.f32 v8, v26;
	v57 =	vmul.f32 v32, v5;
	v50 =	vld.idx.msk [tilespmem:v50+s10+$0x0], $0xffff  }
0x135: {  	v43 =	vadd.f32 v43, v44;
	v8 =	vor.u32 $0x2380, v36;
	v5 =	vor.u32 $0x3000, v36;
	v52 =	vld.idx.msk [tilespmem:v52+s10+$0x0], $0xffff  }
0x136: {  	v44 =	vadd.f32 v57, v56;
	v56 =	vmul.f32 v22, v4;
	v57 =	vor.u32 $0x380, v39;
	v49 =	vld.idx.msk [tilespmem:v49+s3+$0x0], $0xffff  }
0x137: {  	v42 =	vadd.f32 v42, v43;
	v3 =	vadd.f32 v47, v3;
	v4 =	vor.u32 $0x3080, v36;
	v55 =	vld.idx.msk [tilespmem:v55+s10+$0x0], $0xffff  }
0x138: {  	v43 =	vadd.f32 v56, v44;
	v44 =	vmul.f32 v38, v53;
	v47 =	vld.idx.msk [tilespmem:v51+s3+$0x0], $0xffff;
	v51 =	vor.u32 $0x1000, v39  }
0x139: {  	v41 =	vadd.f32 v41, v42;
	v3 =	vadd.f32 v48, v3;
	v53 =	vld.idx.msk [tilespmem:v58+s10+$0x0], $0xffff  }
0x13a: {  	v42 =	vadd.f32 v44, v43;
	v43 =	vld.idx.msk [tilespmem:v54+s3+$0x0], $0xffff;
	v44 =	vor.u32 $0x1080, v39  }
0x13b: {  	v40 =	vadd.f32 v40, v41;
	v3 =	vsub.f32 $0.0e+00, v3;
	v48 =	vld.idx.msk [tilespmem:v57+s10+$0x0], $0xffff  }
0x13c: {  	v41 =	vadd.f32 v49, v42;
	v42 =	vld.idx.msk [tilespmem:v50+s3+$0x0], $0xffff;
	v49 =	vor.u32 $0x1100, v39  }
0x13d: {  	v40 =	vadd.f32 v45, v40;
	v45 =	vmul.f32 $1.442695020e+00, v3;
	v50 =	vld.idx.msk [tilespmem:v51+s10+$0x0], $0xffff  }
0x13e: {  	v51 =	vor.u32 $0x1180, v39;
	v41 =	vadd.f32 v47, v41;
	v47 =	vld.idx.msk [tilespmem:v52+s3+$0x0], $0xffff  }
0x13f: {  	v3 =	vadd.f32 v46, v40;
	v44 =	vld.idx.msk [tilespmem:v44+s10+$0x0], $0xffff;
	(erf) = vpow2.f32 v45  }
0x140: {  	v40 =	vadd.f32 v43, v41;
	v41 =	vld.idx.msk [tilespmem:v55+s3+$0x0], $0xffff;
	v43 =	vor.u32 $0x1200, v39  }
0x141: {  	v45 =	vld.idx.msk [tilespmem:v49+s10+$0x0], $0xffff  }
0x142: {  	v46 =	vor.u32 $0x1280, v39;
	v40 =	vadd.f32 v42, v40;
	v42 =	vld.idx.msk [tilespmem:v53+s3+$0x0], $0xffff  }
0x143: {  	v49 =	vld.idx.msk [tilespmem:v51+s10+$0x0], $0xffff  }
0x144: {  	v40 =	vadd.f32 v47, v40;
	v47 =	vld.idx.msk [tilespmem:v48+s3+$0x0], $0xffff;
	v48 =	vor.u32 $0x1300, v39  }
0x145: {  	v43 =	vld.idx.msk [tilespmem:v43+s10+$0x0], $0xffff  }
0x146: {  	v40 =	vadd.f32 v41, v40;
	v41 =	vld.idx.msk [tilespmem:v50+s3+$0x0], $0xffff;
	v50 =	vor.u32 $0x1380, v39  }
0x147: {  	v46 =	vld.idx.msk [tilespmem:v46+s10+$0x0], $0xffff  }
0x148: {  	v40 =	vadd.f32 v42, v40;
	v42 =	vld.idx.msk [tilespmem:v44+s3+$0x0], $0xffff;
	v44 =	vor.u32 $0x2000, v39;
	v51 =	vpop (erf)  }
0x149: {  	v48 =	vld.idx.msk [tilespmem:v48+s10+$0x0], $0xffff;
	v51 =	vadd.f32 $1.000000000e+00, v51  }
0x14a: {  	v40 =	vadd.f32 v47, v40;
	v45 =	vld.idx.msk [tilespmem:v45+s3+$0x0], $0xffff;
	v47 =	vor.u32 $0x2080, v39  }
0x14b: {  	v50 =	vld.idx.msk [tilespmem:v50+s10+$0x0], $0xffff;
	(erf) = vrcp.f32 v51  }
0x14c: {  	v40 =	vadd.f32 v41, v40;
	v41 =	vld.idx.msk [tilespmem:v49+s3+$0x0], $0xffff;
	v49 =	vor.u32 $0x2100, v39  }
0x14d: {  	v44 =	vld.idx.msk [tilespmem:v44+s10+$0x0], $0xffff  }
0x14e: {  	v40 =	vadd.f32 v42, v40;
	v42 =	vld.idx.msk [tilespmem:v43+s3+$0x0], $0xffff;
	v43 =	vor.u32 $0x2180, v39  }
0x14f: {  	v47 =	vld.idx.msk [tilespmem:v47+s10+$0x0], $0xffff  }
0x150: {  	v40 =	vadd.f32 v45, v40;
	v45 =	vld.idx.msk [tilespmem:v46+s3+$0x0], $0xffff;
	v46 =	vor.u32 $0x2200, v39  }
0x151: {  	v49 =	vld.idx.msk [tilespmem:v49+s10+$0x0], $0xffff  }
0x152: {  	v40 =	vadd.f32 v41, v40;
	v41 =	vld.idx.msk [tilespmem:v48+s3+$0x0], $0xffff;
	v48 =	vor.u32 $0x2280, v39  }
0x153: {  	v43 =	vld.idx.msk [tilespmem:v43+s10+$0x0], $0xffff  }
0x154: {  	v40 =	vadd.f32 v42, v40;
	v42 =	vld.idx.msk [tilespmem:v50+s3+$0x0], $0xffff;
	v50 =	vor.u32 $0x2300, v39;
	v51 =	vpop (erf)  }
0x155: {  	v46 =	vld.idx.msk [tilespmem:v46+s10+$0x0], $0xffff;
	[tilespmem:s16+$0x0] =	vst v51;
	s16 =	smov.u32 s17  }
0x156: {  	v40 =	vadd.f32 v45, v40;
	v44 =	vld.idx.msk [tilespmem:v44+s3+$0x0], $0xffff;
	v45 =	vor.u32 $0x2380, v39  }
0x157: {  	v48 =	vld.idx.msk [tilespmem:v48+s10+$0x0], $0xffff  }
0x158: {  	v40 =	vadd.f32 v41, v40;
	v41 =	vld.idx.msk [tilespmem:v47+s3+$0x0], $0xffff;
	v47 =	vor.u32 $0x3000, v39  }
0x159: {  	v50 =	vld.idx.msk [tilespmem:v50+s10+$0x0], $0xffff  }
0x15a: {  	v39 =	vor.u32 $0x3080, v39;
	v40 =	vadd.f32 v42, v40;
	v42 =	vld.idx.msk [tilespmem:v49+s3+$0x0], $0xffff  }
0x15b: {  	v45 =	vld.idx.msk [tilespmem:v45+s10+$0x0], $0xffff  }
0x15c: {  	v40 =	vadd.f32 v44, v40;
	v43 =	vld.idx.msk [tilespmem:v43+s3+$0x0], $0xffff  }
0x15d: {  	v44 =	vld.idx.msk [tilespmem:v47+s10+$0x0], $0xffff  }
0x15e: {  	v40 =	vadd.f32 v41, v40;
	v41 =	vld.idx.msk [tilespmem:v46+s3+$0x0], $0xffff  }
0x15f: {  	v39 =	vld.idx.msk [tilespmem:v39+s10+$0x0], $0xffff  }
0x160: {  	v40 =	vadd.f32 v42, v40;
	v42 =	vld.idx.msk [tilespmem:v48+s3+$0x0], $0xffff  }
0x161: {  	v33 =	vld.idx.msk [tilespmem:v33+s11+$0x0], $0xffff  }
0x162: {  	v40 =	vadd.f32 v43, v40;
	v43 =	vld.idx.msk [tilespmem:v50+s3+$0x0], $0xffff  }
0x163: {  	v34 =	vld.idx.msk [tilespmem:v34+s11+$0x0], $0xffff  }
0x164: {  	v40 =	vadd.f32 v41, v40;
	v41 =	vld.idx.msk [tilespmem:v45+s3+$0x0], $0xffff  }
0x165: {  	v35 =	vld.idx.msk [tilespmem:v35+s11+$0x0], $0xffff  }
0x166: {  	v40 =	vadd.f32 v42, v40;
	v42 =	vld.idx.msk [tilespmem:v44+s3+$0x0], $0xffff  }
0x167: {  	v33 =	vmul.f32 v33, v37;
	v36 =	vld.idx.msk [tilespmem:v36+s10+$0x0], $0xffff  }
0x168: {  	v37 =	vadd.f32 v43, v40;
	v39 =	vld.idx.msk [tilespmem:v39+s3+$0x0], $0xffff  }
0x169: {  	v26 =	vadd.f32 v33, v26;
	v32 =	vmul.f32 v34, v32;
	v27 =	vld.idx.msk [tilespmem:v27+s11+$0x0], $0xffff  }
0x16a: {  	v33 =	vadd.f32 v41, v37;
	v31 =	vld.idx.msk [tilespmem:v31+s10+$0x0], $0xffff  }
0x16b: {  	v26 =	vadd.f32 v32, v26;
	v22 =	vmul.f32 v35, v22;
	v28 =	vld.idx.msk [tilespmem:v28+s10+$0x0], $0xffff  }
0x16c: {  	v32 =	vadd.f32 v42, v33;
	v30 =	vld.idx.msk [tilespmem:v30+s10+$0x0], $0xffff  }
0x16d: {  	v22 =	vadd.f32 v22, v26;
	v25 =	vld.idx.msk [tilespmem:v25+s10+$0x0], $0xffff  }
0x16e: {  	v26 =	vadd.f32 v39, v32;
	v29 =	vld.idx.msk [tilespmem:v29+s10+$0x0], $0xffff  }
0x16f: {  	v27 =	vmul.f32 v27, v38;
	v32 =	vld.idx.msk [tilespmem:v36+s3+$0x0], $0xffff  }
0x170: {  	v26 =	vsub.f32 $0.0e+00, v26;
	v23 =	vld.idx.msk [tilespmem:v23+s10+$0x0], $0xffff  }
0x171: {  	v22 =	vadd.f32 v27, v22;
	v24 =	vld.idx.msk [tilespmem:v24+s10+$0x0], $0xffff  }
0x172: {  	v26 =	vmul.f32 $1.442695020e+00, v26;
	v27 =	vld.idx.msk [tilespmem:v31+s3+$0x0], $0xffff  }
0x173: {  	v28 =	vld.idx.msk [tilespmem:v28+s3+$0x0], $0xffff  }
0x174: {  	v30 =	vld.idx.msk [tilespmem:v30+s3+$0x0], $0xffff;
	(erf) = vpow2.f32 v26  }
0x175: {  	v22 =	vadd.f32 v32, v22;
	v25 =	vld.idx.msk [tilespmem:v25+s3+$0x0], $0xffff  }
0x176: {  	v26 =	vld.idx.msk [tilespmem:v29+s3+$0x0], $0xffff  }
0x177: {  	v21 =	vld.idx.msk [tilespmem:v21+s10+$0x0], $0xffff  }
0x178: {  	v22 =	vadd.f32 v27, v22;
	v23 =	vld.idx.msk [tilespmem:v23+s3+$0x0], $0xffff  }
0x179: {  	v20 =	vld.idx.msk [tilespmem:v20+s10+$0x0], $0xffff  }
0x17a: {  	v22 =	vadd.f32 v28, v22;
	v24 =	vld.idx.msk [tilespmem:v24+s3+$0x0], $0xffff  }
0x17b: {  	v18 =	vld.idx.msk [tilespmem:v18+s10+$0x0], $0xffff  }
0x17c: {  	v22 =	vadd.f32 v30, v22;
	v17 =	vld.idx.msk [tilespmem:v17+s10+$0x0], $0xffff  }
0x17d: {  	v19 =	vld.idx.msk [tilespmem:v19+s10+$0x0], $0xffff;
	v27 =	vpop (erf)  }
0x17e: {  	v22 =	vadd.f32 v25, v22;
	v27 =	vadd.f32 $1.000000000e+00, v27;
	v16 =	vld.idx.msk [tilespmem:v16+s10+$0x0], $0xffff  }
0x17f: {  	v21 =	vld.idx.msk [tilespmem:v21+s3+$0x0], $0xffff  }
0x180: {  	v22 =	vadd.f32 v26, v22;
	v15 =	vld.idx.msk [tilespmem:v15+s10+$0x0], $0xffff;
	(erf) = vrcp.f32 v27  }
0x181: {  	v20 =	vld.idx.msk [tilespmem:v20+s3+$0x0], $0xffff  }
0x182: {  	v22 =	vadd.f32 v23, v22;
	v14 =	vld.idx.msk [tilespmem:v14+s10+$0x0], $0xffff  }
0x183: {  	v18 =	vld.idx.msk [tilespmem:v18+s3+$0x0], $0xffff  }
0x184: {  	v22 =	vadd.f32 v24, v22;
	v17 =	vld.idx.msk [tilespmem:v17+s3+$0x0], $0xffff  }
0x185: {  	v19 =	vld.idx.msk [tilespmem:v19+s3+$0x0], $0xffff  }
0x186: {  	v22 =	vadd.f32 v21, v22;
	v16 =	vld.idx.msk [tilespmem:v16+s3+$0x0], $0xffff  }
0x187: {  	v13 =	vld.idx.msk [tilespmem:v13+s10+$0x0], $0xffff  }
0x188: {  	v20 =	vadd.f32 v20, v22;
	v15 =	vld.idx.msk [tilespmem:v15+s3+$0x0], $0xffff  }
0x189: {  	s17 =	sadd.s32 $0x20, s17;
	v12 =	vld.idx.msk [tilespmem:v12+s10+$0x0], $0xffff;
	v21 =	vpop (erf)  }
0x18a: {  	v18 =	vadd.f32 v18, v20;
	[tilespmem:s17+$0xFFFFFFF0] =	vst v21;
	v14 =	vld.idx.msk [tilespmem:v14+s3+$0x0], $0xffff  }
0x18b: {  	v20 =	vld.idx.msk [tilespmem:v7+s10+$0x0], $0xffff  }
0x18c: {  	v7 =	vadd.f32 v17, v18;
	v10 =	vld.idx.msk [tilespmem:v10+s10+$0x0], $0xffff  }
0x18d: {  	v11 =	vld.idx.msk [tilespmem:v11+s10+$0x0], $0xffff  }
0x18e: {  	v7 =	vadd.f32 v19, v7;
	v17 =	vld.idx.msk [tilespmem:v9+s10+$0x0], $0xffff  }
0x18f: {  	v13 =	vld.idx.msk [tilespmem:v13+s3+$0x0], $0xffff  }
0x190: {  	v16 =	vadd.f32 v16, v7;
	v7 =	vld.idx.msk [tilespmem:v6+s10+$0x0], $0xffff  }
0x191: {  	v9 =	vld.idx.msk [tilespmem:v12+s3+$0x0], $0xffff  }
0x192: {  	v12 =	vadd.f32 v15, v16;
	v6 =	vld.idx.msk [tilespmem:v8+s10+$0x0], $0xffff  }
.Ltmp0:
0x193: {  	v43 =	vld.idx.msk [tilespmem:v20+s3+$0x0], $0xffff;
	(pc) =	sbr.rel @p0 .LBB2_2-.Ltmp0, $4  }
0x194: {  	v8 =	vadd.f32 v14, v12;
	v42 =	vld.idx.msk [tilespmem:v10+s3+$0x0], $0xffff  }
0x195: {  	v41 =	vld.idx.msk [tilespmem:v11+s3+$0x0], $0xffff  }
0x196: {  	v8 =	vadd.f32 v13, v8;
	v40 =	vld.idx.msk [tilespmem:v17+s3+$0x0], $0xffff  }
0x197: {  	s19 =	sadd.s32 $0x20, s19;
	v5 =	vld.idx.msk [tilespmem:v5+s10+$0x0], $0xffff  }
0x198: {  	_ =	sdelay $0x3  }
0x199: {  	v1 =	vld.idx.msk [tilespmem:v1+s3+$0x0], $0xffff;
	_ =	sdelay $0x1  }
0x19a: {  	v2 =	vld.idx.msk [tilespmem:v2+s3+$0x0], $0xffff;
	_ =	sdelay $0x1  }
0x19b: {  	v8 =	vadd.f32 v9, v8  }
0x19c: {  	v1 =	vadd.f32 v1, v3  }
0x19d: {  	v3 =	vadd.f32 v43, v8  }
0x19e: {  	v4 =	vld.idx.msk [tilespmem:v4+s10+$0x0], $0xffff;
	v1 =	vadd.f32 v2, v1  }
0x19f: {  	v2 =	vadd.f32 v42, v3  }
0x1a0: {  	v3 =	vld.idx.msk [tilespmem:v7+s3+$0x0], $0xffff;
	v1 =	vsub.f32 $0.0e+00, v1  }
0x1a1: {  	v2 =	vadd.f32 v41, v2  }
0x1a2: {  	v6 =	vld.idx.msk [tilespmem:v6+s3+$0x0], $0xffff;
	v1 =	vmul.f32 $1.442695020e+00, v1  }
0x1a3: {  	v2 =	vadd.f32 v40, v2  }
0x1a4: {  	(erf) = vpow2.f32 v1;
	v1 =	vld.idx.msk [tilespmem:v5+s3+$0x0], $0xffff  }
0x1a5: {  	v2 =	vadd.f32 v3, v2  }
0x1a6: {  	v3 =	vld.idx.msk [tilespmem:v4+s3+$0x0], $0xffff  }
0x1a7: {  	v2 =	vadd.f32 v6, v2;
	_ =	sdelay $0x1  }
0x1a8: {  	v1 =	vadd.f32 v1, v2;
	_ =	sdelay $0x1  }
0x1a9: {  	v1 =	vadd.f32 v3, v1;
	_ =	sdelay $0x1  }
0x1aa: {  	v2 =	vpop (erf);
	v1 =	vsub.f32 $0.0e+00, v1  }
0x1ab: {  	v2 =	vadd.f32 $1.000000000e+00, v2  }
0x1ac: {  	v1 =	vmul.f32 $1.442695020e+00, v1  }
0x1ad: {  	(erf) = vrcp.f32 v2  }
0x1ae: {  	(erf) = vpow2.f32 v1;
	_ =	sdelay $0x7  }
0x1af: {  	v1 =	vpop (erf)  }
0x1b0: {  	v2 =	vpop (erf)  }
0x1b1: {  	v2 =	vadd.f32 $1.000000000e+00, v2;
	_ =	sdelay $0x1  }
0x1b2: {  	(erf) = vrcp.f32 v2;
	_ =	sdelay $0x7  }
0x1b3: {  	s15 =	sadd.s32 $0x1, s15  }
0x1b4: {  	p0 =	sne.s32 s15, s7;
	[tilespmem:s16+$0x0] =	vst v1;
	v1 =	vpop (erf)  }
.Ltmp1:
0x1b5: {  	[tilespmem:s17+$0x0] =	vst v1;
	(pc) =	sbr.rel @p0 .LBB2_1-.Ltmp1, $4  }
0x1b6: {  	[hbm4b:s6+s3] =	stream.linear.scatter [tilespmem:s13], [sflag:$0x2], $0x200, $0x38;
	[tilespmem:$0x5180] =	vst v63  }
0x1b7: {  	_ =	swait.ge [sflag:s14], $0x200  }
0x1b8: {  	[sflag:s14] =	ssyncset.done $0x0  }
0x1b9: {  	[sflag:s14] =	ssyncadd.s32 $0xFFFFFE00  }
0x1ba: {  	_ =	sfence.sel $0x180000  }
0x1bb: {  	[bflag:$0x0] =	sbarrier.arrive $0xFFFF  }
0x1bc: {  	p0 =	sne.s32 s2, $0x0;
	_ =	strace $0x90000047  }
0x1bd: {  	s0 =	sadd.s32 @!p0 $0x100000, s0;
	[bflag:$0x2] =	sbarrier.arrive $0xFFFF  }
0x1be: {  	[sflag:s0] =	ssyncadd.tile.s32 @!p0 $0x1;
	_ =	shalt  }
.Lfunc_end2:
_tile_overlayer_lowered:
.L_overlay_start_2:
0x1bf: {  	(tag) =	ssettag $0x2  }
0x1c0: {  	s0 =	rddreg [dreg:$0x0];
	s2 =	stileid.u32  }
0x1c1: {  	s1 =	rddreg [dreg:$0x1];
	p0 =	sne.s32 s2, $0x0  }
0x1c2: {  	s3 =	rddreg [dreg:$0x2];
	[bflag:$0x3] =	sbarrier.arrive $0xFFFF;
	s2 =	simm.s32 @!p0 $0x1C02  }
0x1c3: {  	[timem:s3], [sflag:s2] =	dma.local @!p0 [hbm:s0], s1  }
0x1c4: {  	s0 =	simm.s32 @!p0 $0x2  }
0x1c5: {  	_ =	swait.ge @!p0 [sflag:s0], s1  }
0x1c6: {  	s1 =	ssub.s32 @!p0 $0x0, s1;
	[sflag:s0] =	ssyncset.done @!p0 $0x0  }
0x1c7: {  	[sflag:s0] =	ssyncadd.s32 @!p0 s1  }
0x1c8: {  	[bflag:$0x3] =	sbarrier.arrive $0xFFFF  }
0x1c9: {  	_ =	shalt  }

</sc_bundles>
